<compile_context>
chip_gen: v7x
topology: tpu7x:2x2x1
jax: 0.10.2.dev20260603
libtpu: 0.0.44.dev20260713+nightly
codegen_flags: <defaults>
</compile_context>

<pallas_src>
import jax
import jax.numpy as jnp
from jax import lax
from jax.experimental import pallas as pl
from jax.experimental.pallas import tpu as pltpu
from jax.experimental.pallas import tpu_sc as plsc

_B = 4096
_C = 64
_K = 256
_IW = 16
_JW = 16
_NIB = _C // _IW
_NJB = _C // _JW
_NBH = 2
_BH = _B // _NBH
_NB = 16
_NCHUNK = _BH // _NB
_RING = 4
_UNROLL = 8


def _body(in_hbm, tab_hbm, out_hbm, tbuf, inbuf, outbuf, isems, osems):
    c = lax.axis_index("c")
    s = lax.axis_index("s")
    wid = s * 2 + c
    ib = wid % _NIB
    jb = (wid // _NIB) % _NJB
    bh = wid // (_NIB * _NJB)
    i0 = ib * _IW
    j0 = jb * _JW
    b0 = bh * _BH

    def in_copy(ck, slot):
        b = b0 + ck * _NB
        return pltpu.make_async_copy(
            in_hbm.at[pl.ds(b, _NB), pl.ds(j0, _JW), pl.ds(i0, _IW)],
            inbuf.at[slot], isems.at[slot])

    def out_copy(ck, slot):
        b = b0 + ck * _NB
        return pltpu.make_async_copy(
            outbuf.at[slot],
            out_hbm.at[pl.ds(b, _NB), pl.ds(i0, _IW), pl.ds(j0, _JW)],
            osems.at[slot])

    for r in range(_RING):
        in_copy(r, r).start()

    pltpu.sync_copy(tab_hbm.at[pl.ds(i0, _IW), pl.ds(j0, _JW), :], tbuf)

    lanes = jnp.arange(16, dtype=jnp.int32)

    def chunk_body(ck, _):
        slot = ck % _RING
        in_copy(ck, slot).wait()

        @pl.when(ck >= _RING)
        def _drain_out():
            out_copy(ck - _RING, slot).wait()

        @plsc.parallel_loop(0, _NB * _JW, unroll=_UNROLL)
        def g_body(g):
            bb = g // _JW
            jl = g % _JW
            codes = inbuf[slot, bb, jl, :]
            jv = jnp.full((16,), jl, jnp.int32)
            vals = plsc.load_gather(tbuf, [lanes, jv, codes])
            plsc.store_scatter(
                outbuf, [jnp.full((16,), slot, jnp.int32),
                         jnp.full((16,), bb, jnp.int32), lanes, jv], vals)

        out_copy(ck, slot).start()

        @pl.when(ck + _RING < _NCHUNK)
        def _start_next():
            in_copy(ck + _RING, slot).start()

        return _

    lax.fori_loop(0, _NCHUNK, chunk_body, None)
    for r in range(_RING):
        out_copy(_NCHUNK - _RING + r, (_NCHUNK - _RING + r) % _RING).wait()


def kernel(input, white_table):
    mesh = plsc.VectorSubcoreMesh(
        core_axis_name="c", subcore_axis_name="s", num_cores=2, num_subcores=16)
    f = pl.kernel(
        _body,
        out_type=jax.ShapeDtypeStruct((_B, _C, _C), jnp.float32),
        mesh=mesh,
        scratch_types=[
            pltpu.VMEM((_IW, _JW, _K), jnp.float32),
            pltpu.VMEM((_RING, _NB, _JW, _IW), jnp.int32),
            pltpu.VMEM((_RING, _NB, _IW, _JW), jnp.float32),
            pltpu.SemaphoreType.DMA((_RING,)),
            pltpu.SemaphoreType.DMA((_RING,)),
        ],
        compiler_params=pltpu.CompilerParams(
            use_tc_tiling_on_sc=False, needs_layout_passes=False),
    )
    return f(input, white_table)

# --- scband reference (transcript-rebuilt; emitter-appended) ---
"""Pipeline reference for scband-white-transpose-28406913696445 (READ-ONLY COPY).

The authoritative reference and input builder live on the scoring server;
editing this copy changes nothing except your own understanding.
"""

import jax, jax.numpy as jnp
import numpy as np

BATCH = 4096
IN_CHANNELS = 64
OUT_CHANNELS = 64
TABLE_SIZE = 256
DIM0, DIM1 = 1, 2


def setup_inputs(seed: int = 0) -> dict:
    key = jax.random.key(seed)
    k1, k2 = jax.random.split(key)
    # input holds uint8-range codes (the torch module casts to np.uint8 before lookup)
    inp = jax.random.randint(k1, (BATCH, IN_CHANNELS, OUT_CHANNELS), 0, TABLE_SIZE, dtype=jnp.int32)
    # white_table[i][j] is a 256-entry lookup table for output channel i, input channel j
    white_table = jax.random.normal(k2, (OUT_CHANNELS, IN_CHANNELS, TABLE_SIZE), dtype=jnp.float32)
    return {"input": inp, "white_table": white_table}


def reference(input, white_table):
    # _whitebox_forward: transpose(dim0, dim1) then per-(i, j) table lookup
    # out[:, i, j] = white_table[i][j][out[:, i, j]]
    x = jnp.swapaxes(input, DIM0, DIM1)  # [B, out_channels, in_channels]
    i_idx = jnp.arange(OUT_CHANNELS)[None, :, None]  # [1, Cout, 1]
    j_idx = jnp.arange(IN_CHANNELS)[None, None, :]   # [1, 1, Cin]
    out = white_table[i_idx, j_idx, x]  # gather -> [B, Cout, Cin] float32
    return out

if __name__ == "__main__":
    import jax
    _d = setup_inputs()
    print(jax.jit(kernel)(*tuple(_d.values())))

</pallas_src>

<mosaic_0001>
#map = affine_map<(d0, d1) -> (0, 0, 0)>
module attributes {stable_mosaic.version = 14 : i64} {
  func.func @_body(%arg0: i32, %arg1: i32, %arg2: memref<4096x64x64xi32, #tpu.memory_space<hbm>>, %arg3: memref<64x64x256xf32, #tpu.memory_space<hbm>>, %arg4: memref<4096x64x64xf32, #tpu.memory_space<hbm>>, %arg5: memref<16x16x256xf32, #tpu.memory_space<vmem>>, %arg6: memref<4x16x16x16xi32, #tpu.memory_space<vmem>>, %arg7: memref<4x16x16x16xf32, #tpu.memory_space<vmem>>, %arg8: memref<4x!tpu.dma_semaphore, #tpu.memory_space<semaphore_mem>>, %arg9: memref<4x!tpu.dma_semaphore, #tpu.memory_space<semaphore_mem>>) attributes {dimension_semantics = [#tpu.dimension_semantics<core_parallel>, #tpu.dimension_semantics<subcore_parallel>], iteration_bounds = array<i64: 2, 16>, scalar_prefetch = 0 : i64, scratch_operands = 5 : i64, tpu.core_type = #tpu.core_type<sc_vector_subcore>, window_params = [{transform_indices = #map}, {transform_indices = #map}, {transform_indices = #map}]} {
    %mul3A = arith.constant 2 : i32
    %mul3A_0 = arith.muli %arg1, %mul3A : i32
    %add3A = arith.addi %mul3A_0, %arg0 : i32
    %jit3A = arith.constant 4 : i32
    %eq3A = arith.constant 0 : i32
    %eq3A_1 = arith.cmpi eq, %jit3A, %eq3A : i32
    %jit3A_2 = arith.constant 1 : i32
    %select_n3A = arith.select %eq3A_1, %jit3A_2, %jit3A : i32
    %rem3A = arith.remsi %add3A, %select_n3A : i32
    %ne3A = arith.constant 0 : i32
    %ne3A_3 = arith.cmpi ne, %rem3A, %ne3A : i32
    %lt3A = arith.constant 0 : i32
    %lt3A_4 = arith.cmpi slt, %rem3A, %lt3A : i32
    %lt3A_5 = arith.constant 0 : i32
    %lt3A_6 = arith.cmpi slt, %select_n3A, %lt3A_5 : i32
    %ne3A_7 = arith.xori %lt3A_4, %lt3A_6 : i1
    %and3A = arith.andi %ne3A_7, %ne3A_3 : i1
    %add3A_8 = arith.addi %rem3A, %select_n3A : i32
    %select_n3A_9 = arith.select %and3A, %add3A_8, %rem3A : i32
    %jit3A_10 = arith.constant 4 : i32
    %div3A = arith.divsi %add3A, %jit3A_10 : i32
    %sign3A = arith.constant 0 : i32
    %sign3A_11 = arith.cmpi sgt, %add3A, %sign3A : i32
    %sign3A_12 = arith.extui %sign3A_11 : i1 to i32
    %sign3A_13 = arith.constant 0 : i32
    %sign3A_14 = arith.cmpi slt, %add3A, %sign3A_13 : i32
    %sign3A_15 = arith.extui %sign3A_14 : i1 to i32
    %sign3A_16 = arith.subi %sign3A_12, %sign3A_15 : i32
    %sign3A_17 = arith.constant 0 : i32
    %sign3A_18 = arith.cmpi sgt, %jit3A_10, %sign3A_17 : i32
    %sign3A_19 = arith.extui %sign3A_18 : i1 to i32
    %sign3A_20 = arith.constant 0 : i32
    %sign3A_21 = arith.cmpi slt, %jit3A_10, %sign3A_20 : i32
    %sign3A_22 = arith.extui %sign3A_21 : i1 to i32
    %sign3A_23 = arith.subi %sign3A_19, %sign3A_22 : i32
    %ne3A_24 = arith.cmpi ne, %sign3A_16, %sign3A_23 : i32
    %rem3A_25 = arith.remsi %add3A, %jit3A_10 : i32
    %ne3A_26 = arith.constant 0 : i32
    %ne3A_27 = arith.cmpi ne, %rem3A_25, %ne3A_26 : i32
    %and3A_28 = arith.andi %ne3A_24, %ne3A_27 : i1
    %sub3A = arith.constant 1 : i32
    %sub3A_29 = arith.subi %div3A, %sub3A : i32
    %select_n3A_30 = arith.select %and3A_28, %sub3A_29, %div3A : i32
    %jit3A_31 = arith.constant 4 : i32
    %eq3A_32 = arith.constant 0 : i32
    %eq3A_33 = arith.cmpi eq, %jit3A_31, %eq3A_32 : i32
    %jit3A_34 = arith.constant 1 : i32
    %select_n3A_35 = arith.select %eq3A_33, %jit3A_34, %jit3A_31 : i32
    %rem3A_36 = arith.remsi %select_n3A_30, %select_n3A_35 : i32
    %ne3A_37 = arith.constant 0 : i32
    %ne3A_38 = arith.cmpi ne, %rem3A_36, %ne3A_37 : i32
    %lt3A_39 = arith.constant 0 : i32
    %lt3A_40 = arith.cmpi slt, %rem3A_36, %lt3A_39 : i32
    %lt3A_41 = arith.constant 0 : i32
    %lt3A_42 = arith.cmpi slt, %select_n3A_35, %lt3A_41 : i32
    %ne3A_43 = arith.xori %lt3A_40, %lt3A_42 : i1
    %and3A_44 = arith.andi %ne3A_43, %ne3A_38 : i1
    %add3A_45 = arith.addi %rem3A_36, %select_n3A_35 : i32
    %select_n3A_46 = arith.select %and3A_44, %add3A_45, %rem3A_36 : i32
    %jit3A_47 = arith.constant 16 : i32
    %div3A_48 = arith.divsi %add3A, %jit3A_47 : i32
    %sign3A_49 = arith.constant 0 : i32
    %sign3A_50 = arith.cmpi sgt, %add3A, %sign3A_49 : i32
    %sign3A_51 = arith.extui %sign3A_50 : i1 to i32
    %sign3A_52 = arith.constant 0 : i32
    %sign3A_53 = arith.cmpi slt, %add3A, %sign3A_52 : i32
    %sign3A_54 = arith.extui %sign3A_53 : i1 to i32
    %sign3A_55 = arith.subi %sign3A_51, %sign3A_54 : i32
    %sign3A_56 = arith.constant 0 : i32
    %sign3A_57 = arith.cmpi sgt, %jit3A_47, %sign3A_56 : i32
    %sign3A_58 = arith.extui %sign3A_57 : i1 to i32
    %sign3A_59 = arith.constant 0 : i32
    %sign3A_60 = arith.cmpi slt, %jit3A_47, %sign3A_59 : i32
    %sign3A_61 = arith.extui %sign3A_60 : i1 to i32
    %sign3A_62 = arith.subi %sign3A_58, %sign3A_61 : i32
    %ne3A_63 = arith.cmpi ne, %sign3A_55, %sign3A_62 : i32
    %rem3A_64 = arith.remsi %add3A, %jit3A_47 : i32
    %ne3A_65 = arith.constant 0 : i32
    %ne3A_66 = arith.cmpi ne, %rem3A_64, %ne3A_65 : i32
    %and3A_67 = arith.andi %ne3A_63, %ne3A_66 : i1
    %sub3A_68 = arith.constant 1 : i32
    %sub3A_69 = arith.subi %div3A_48, %sub3A_68 : i32
    %select_n3A_70 = arith.select %and3A_67, %sub3A_69, %div3A_48 : i32
    %mul3A_71 = arith.constant 16 : i32
    %mul3A_72 = arith.muli %select_n3A_9, %mul3A_71 : i32
    %mul3A_73 = arith.constant 16 : i32
    %mul3A_74 = arith.muli %select_n3A_46, %mul3A_73 : i32
    %mul3A_75 = arith.constant 2048 : i32
    %mul3A_76 = arith.muli %select_n3A_70, %mul3A_75 : i32
    %add3A_77 = arith.constant 0 : i32
    %add3A_78 = arith.addi %mul3A_76, %add3A_77 : i32
    %dma_start3A = arith.constant 0 : i32
    %dma_start3A_79 = arith.constant 0 : i32
    %dma_start3A_80 = arith.constant 0 : i32
    %dma_start3A_81 = arith.constant 0 : i32
    %dma_start3A_82 = arith.constant 0 : i32
    %dma_start3A_83 = tpu.memref_slice %arg6[%dma_start3A, %dma_start3A_80, %dma_start3A_81, %dma_start3A_82] : memref<4x16x16x16xi32, #tpu.memory_space<vmem>> -> memref<1x16x16x16xi32, #tpu.memory_space<vmem>>
    %dma_start3A_84 = tpu.memref_squeeze %dma_start3A_83 : memref<1x16x16x16xi32, #tpu.memory_space<vmem>> -> memref<16x16x16xi32, #tpu.memory_space<vmem>>
    %dma_start3A_85 = tpu.memref_slice %arg2[%add3A_78, %mul3A_74, %mul3A_72] : memref<4096x64x64xi32, #tpu.memory_space<hbm>> -> memref<16x16x16xi32, #tpu.memory_space<hbm>>
    %dma_start3A_86 = tpu.memref_slice %arg8[%dma_start3A_79] : memref<4x!tpu.dma_semaphore, #tpu.memory_space<semaphore_mem>> -> memref<1x!tpu.dma_semaphore, #tpu.memory_space<semaphore_mem>>
    %dma_start3A_87 = tpu.memref_squeeze %dma_start3A_86 : memref<1x!tpu.dma_semaphore, #tpu.memory_space<semaphore_mem>> -> memref<!tpu.dma_semaphore, #tpu.memory_space<semaphore_mem>>
    %dma_start3A_88 = arith.constant 0 : i32
    %dma_start3A_89 = arith.constant 0 : i32
    %dma_start3A_90 = arith.constant 0 : i32
    %dma_start3A_91 = tpu.memref_slice %arg6[%dma_start3A, %dma_start3A_88, %dma_start3A_89, %dma_start3A_90] : memref<4x16x16x16xi32, #tpu.memory_space<vmem>> -> memref<1x16x16x16xi32, #tpu.memory_space<vmem>>
    %dma_start3A_92 = tpu.memref_squeeze %dma_start3A_91 : memref<1x16x16x16xi32, #tpu.memory_space<vmem>> -> memref<16x16x16xi32, #tpu.memory_space<vmem>>
    %dma_start3A_93 = tpu.memref_slice %arg2[%add3A_78, %mul3A_74, %mul3A_72] : memref<4096x64x64xi32, #tpu.memory_space<hbm>> -> memref<16x16x16xi32, #tpu.memory_space<hbm>>
    tpu.enqueue_dma source(%dma_start3A_93 : memref<16x16x16xi32, #tpu.memory_space<hbm>>) target(%dma_start3A_92 : memref<16x16x16xi32, #tpu.memory_space<vmem>>) target_semaphore(%dma_start3A_87 : memref<!tpu.dma_semaphore, #tpu.memory_space<semaphore_mem>>)
    %add3A_94 = arith.constant 16 : i32
    %add3A_95 = arith.addi %mul3A_76, %add3A_94 : i32
    %dma_start3A_96 = arith.constant 1 : i32
    %dma_start3A_97 = arith.constant 1 : i32
    %dma_start3A_98 = arith.constant 0 : i32
    %dma_start3A_99 = arith.constant 0 : i32
    %dma_start3A_100 = arith.constant 0 : i32
    %dma_start3A_101 = tpu.memref_slice %arg6[%dma_start3A_96, %dma_start3A_98, %dma_start3A_99, %dma_start3A_100] : memref<4x16x16x16xi32, #tpu.memory_space<vmem>> -> memref<1x16x16x16xi32, #tpu.memory_space<vmem>>
    %dma_start3A_102 = tpu.memref_squeeze %dma_start3A_101 : memref<1x16x16x16xi32, #tpu.memory_space<vmem>> -> memref<16x16x16xi32, #tpu.memory_space<vmem>>
    %dma_start3A_103 = tpu.memref_slice %arg2[%add3A_95, %mul3A_74, %mul3A_72] : memref<4096x64x64xi32, #tpu.memory_space<hbm>> -> memref<16x16x16xi32, #tpu.memory_space<hbm>>
    %dma_start3A_104 = tpu.memref_slice %arg8[%dma_start3A_97] : memref<4x!tpu.dma_semaphore, #tpu.memory_space<semaphore_mem>> -> memref<1x!tpu.dma_semaphore, #tpu.memory_space<semaphore_mem>>
    %dma_start3A_105 = tpu.memref_squeeze %dma_start3A_104 : memref<1x!tpu.dma_semaphore, #tpu.memory_space<semaphore_mem>> -> memref<!tpu.dma_semaphore, #tpu.memory_space<semaphore_mem>>
    %dma_start3A_106 = arith.constant 0 : i32
    %dma_start3A_107 = arith.constant 0 : i32
    %dma_start3A_108 = arith.constant 0 : i32
    %dma_start3A_109 = tpu.memref_slice %arg6[%dma_start3A_96, %dma_start3A_106, %dma_start3A_107, %dma_start3A_108] : memref<4x16x16x16xi32, #tpu.memory_space<vmem>> -> memref<1x16x16x16xi32, #tpu.memory_space<vmem>>
    %dma_start3A_110 = tpu.memref_squeeze %dma_start3A_109 : memref<1x16x16x16xi32, #tpu.memory_space<vmem>> -> memref<16x16x16xi32, #tpu.memory_space<vmem>>
    %dma_start3A_111 = tpu.memref_slice %arg2[%add3A_95, %mul3A_74, %mul3A_72] : memref<4096x64x64xi32, #tpu.memory_space<hbm>> -> memref<16x16x16xi32, #tpu.memory_space<hbm>>
    tpu.enqueue_dma source(%dma_start3A_111 : memref<16x16x16xi32, #tpu.memory_space<hbm>>) target(%dma_start3A_110 : memref<16x16x16xi32, #tpu.memory_space<vmem>>) target_semaphore(%dma_start3A_105 : memref<!tpu.dma_semaphore, #tpu.memory_space<semaphore_mem>>)
    %add3A_112 = arith.constant 32 : i32
    %add3A_113 = arith.addi %mul3A_76, %add3A_112 : i32
    %dma_start3A_114 = arith.constant 2 : i32
    %dma_start3A_115 = arith.constant 2 : i32
    %dma_start3A_116 = arith.constant 0 : i32
    %dma_start3A_117 = arith.constant 0 : i32
    %dma_start3A_118 = arith.constant 0 : i32
    %dma_start3A_119 = tpu.memref_slice %arg6[%dma_start3A_114, %dma_start3A_116, %dma_start3A_117, %dma_start3A_118] : memref<4x16x16x16xi32, #tpu.memory_space<vmem>> -> memref<1x16x16x16xi32, #tpu.memory_space<vmem>>
    %dma_start3A_120 = tpu.memref_squeeze %dma_start3A_119 : memref<1x16x16x16xi32, #tpu.memory_space<vmem>> -> memref<16x16x16xi32, #tpu.memory_space<vmem>>
    %dma_start3A_121 = tpu.memref_slice %arg2[%add3A_113, %mul3A_74, %mul3A_72] : memref<4096x64x64xi32, #tpu.memory_space<hbm>> -> memref<16x16x16xi32, #tpu.memory_space<hbm>>
    %dma_start3A_122 = tpu.memref_slice %arg8[%dma_start3A_115] : memref<4x!tpu.dma_semaphore, #tpu.memory_space<semaphore_mem>> -> memref<1x!tpu.dma_semaphore, #tpu.memory_space<semaphore_mem>>
    %dma_start3A_123 = tpu.memref_squeeze %dma_start3A_122 : memref<1x!tpu.dma_semaphore, #tpu.memory_space<semaphore_mem>> -> memref<!tpu.dma_semaphore, #tpu.memory_space<semaphore_mem>>
    %dma_start3A_124 = arith.constant 0 : i32
    %dma_start3A_125 = arith.constant 0 : i32
    %dma_start3A_126 = arith.constant 0 : i32
    %dma_start3A_127 = tpu.memref_slice %arg6[%dma_start3A_114, %dma_start3A_124, %dma_start3A_125, %dma_start3A_126] : memref<4x16x16x16xi32, #tpu.memory_space<vmem>> -> memref<1x16x16x16xi32, #tpu.memory_space<vmem>>
    %dma_start3A_128 = tpu.memref_squeeze %dma_start3A_127 : memref<1x16x16x16xi32, #tpu.memory_space<vmem>> -> memref<16x16x16xi32, #tpu.memory_space<vmem>>
    %dma_start3A_129 = tpu.memref_slice %arg2[%add3A_113, %mul3A_74, %mul3A_72] : memref<4096x64x64xi32, #tpu.memory_space<hbm>> -> memref<16x16x16xi32, #tpu.memory_space<hbm>>
    tpu.enqueue_dma source(%dma_start3A_129 : memref<16x16x16xi32, #tpu.memory_space<hbm>>) target(%dma_start3A_128 : memref<16x16x16xi32, #tpu.memory_space<vmem>>) target_semaphore(%dma_start3A_123 : memref<!tpu.dma_semaphore, #tpu.memory_space<semaphore_mem>>)
    %add3A_130 = arith.constant 48 : i32
    %add3A_131 = arith.addi %mul3A_76, %add3A_130 : i32
    %dma_start3A_132 = arith.constant 3 : i32
    %dma_start3A_133 = arith.constant 3 : i32
    %dma_start3A_134 = arith.constant 0 : i32
    %dma_start3A_135 = arith.constant 0 : i32
    %dma_start3A_136 = arith.constant 0 : i32
    %dma_start3A_137 = tpu.memref_slice %arg6[%dma_start3A_132, %dma_start3A_134, %dma_start3A_135, %dma_start3A_136] : memref<4x16x16x16xi32, #tpu.memory_space<vmem>> -> memref<1x16x16x16xi32, #tpu.memory_space<vmem>>
    %dma_start3A_138 = tpu.memref_squeeze %dma_start3A_137 : memref<1x16x16x16xi32, #tpu.memory_space<vmem>> -> memref<16x16x16xi32, #tpu.memory_space<vmem>>
    %dma_start3A_139 = tpu.memref_slice %arg2[%add3A_131, %mul3A_74, %mul3A_72] : memref<4096x64x64xi32, #tpu.memory_space<hbm>> -> memref<16x16x16xi32, #tpu.memory_space<hbm>>
    %dma_start3A_140 = tpu.memref_slice %arg8[%dma_start3A_133] : memref<4x!tpu.dma_semaphore, #tpu.memory_space<semaphore_mem>> -> memref<1x!tpu.dma_semaphore, #tpu.memory_space<semaphore_mem>>
    %dma_start3A_141 = tpu.memref_squeeze %dma_start3A_140 : memref<1x!tpu.dma_semaphore, #tpu.memory_space<semaphore_mem>> -> memref<!tpu.dma_semaphore, #tpu.memory_space<semaphore_mem>>
    %dma_start3A_142 = arith.constant 0 : i32
    %dma_start3A_143 = arith.constant 0 : i32
    %dma_start3A_144 = arith.constant 0 : i32
    %dma_start3A_145 = tpu.memref_slice %arg6[%dma_start3A_132, %dma_start3A_142, %dma_start3A_143, %dma_start3A_144] : memref<4x16x16x16xi32, #tpu.memory_space<vmem>> -> memref<1x16x16x16xi32, #tpu.memory_space<vmem>>
    %dma_start3A_146 = tpu.memref_squeeze %dma_start3A_145 : memref<1x16x16x16xi32, #tpu.memory_space<vmem>> -> memref<16x16x16xi32, #tpu.memory_space<vmem>>
    %dma_start3A_147 = tpu.memref_slice %arg2[%add3A_131, %mul3A_74, %mul3A_72] : memref<4096x64x64xi32, #tpu.memory_space<hbm>> -> memref<16x16x16xi32, #tpu.memory_space<hbm>>
    tpu.enqueue_dma source(%dma_start3A_147 : memref<16x16x16xi32, #tpu.memory_space<hbm>>) target(%dma_start3A_146 : memref<16x16x16xi32, #tpu.memory_space<vmem>>) target_semaphore(%dma_start3A_141 : memref<!tpu.dma_semaphore, #tpu.memory_space<semaphore_mem>>)
    "tpu.region"() ({
      %run_scoped3A = tpu.sem_alloc : memref<!tpu.dma_semaphore, #tpu.memory_space<semaphore_mem>>
      %dma_start3A_223 = arith.constant 0 : i32
      %dma_start3A_224 = tpu.memref_slice %arg3[%mul3A_72, %mul3A_74, %dma_start3A_223] : memref<64x64x256xf32, #tpu.memory_space<hbm>> -> memref<16x16x256xf32, #tpu.memory_space<hbm>>
      %dma_start3A_225 = arith.constant 0 : i32
      %dma_start3A_226 = tpu.memref_slice %arg3[%mul3A_72, %mul3A_74, %dma_start3A_225] : memref<64x64x256xf32, #tpu.memory_space<hbm>> -> memref<16x16x256xf32, #tpu.memory_space<hbm>>
      tpu.enqueue_dma source(%dma_start3A_226 : memref<16x16x256xf32, #tpu.memory_space<hbm>>) target(%arg5 : memref<16x16x256xf32, #tpu.memory_space<vmem>>) target_semaphore(%run_scoped3A : memref<!tpu.dma_semaphore, #tpu.memory_space<semaphore_mem>>)
      %dma_wait3A_227 = arith.constant 0 : i32
      %dma_wait3A_228 = tpu.memref_slice %arg3[%mul3A_72, %mul3A_74, %dma_wait3A_227] : memref<64x64x256xf32, #tpu.memory_space<hbm>> -> memref<16x16x256xf32, #tpu.memory_space<hbm>>
      %dma_wait3A_229 = arith.constant 0 : i32
      %dma_wait3A_230 = tpu.memref_slice %arg3[%mul3A_72, %mul3A_74, %dma_wait3A_229] : memref<64x64x256xf32, #tpu.memory_space<hbm>> -> memref<16x16x256xf32, #tpu.memory_space<hbm>>
      tpu.wait_dma2 semaphore(%run_scoped3A : memref<!tpu.dma_semaphore, #tpu.memory_space<semaphore_mem>>) src(%dma_wait3A_230 : memref<16x16x256xf32, #tpu.memory_space<hbm>>) dst(%arg5 : memref<16x16x256xf32, #tpu.memory_space<vmem>>)
      tpu.yield
    }) : () -> ()
    %iota3A = tpu.iota {dimensions = array<i32: 0>} : vector<16xi32>
    %scan3A = arith.constant 0 : i32
    %scan3A_148 = arith.constant 128 : i32
    %scan3A_149 = arith.addi %scan3A, %scan3A_148 : i32
    %scan3A_150 = arith.constant 1 : i32
    scf.for %scan3A_223 = %scan3A to %scan3A_149 step %scan3A_150  : i32 {
      %jit3A_224 = arith.constant 4 : i32
      %eq3A_225 = arith.constant 0 : i32
      %eq3A_226 = arith.cmpi eq, %jit3A_224, %eq3A_225 : i32
      %jit3A_227 = arith.constant 1 : i32
      %select_n3A_228 = arith.select %eq3A_226, %jit3A_227, %jit3A_224 : i32
      %rem3A_229 = arith.remsi %scan3A_223, %select_n3A_228 : i32
      %ne3A_230 = arith.constant 0 : i32
      %ne3A_231 = arith.cmpi ne, %rem3A_229, %ne3A_230 : i32
      %lt3A_232 = arith.constant 0 : i32
      %lt3A_233 = arith.cmpi slt, %rem3A_229, %lt3A_232 : i32
      %lt3A_234 = arith.constant 0 : i32
      %lt3A_235 = arith.cmpi slt, %select_n3A_228, %lt3A_234 : i32
      %ne3A_236 = arith.xori %lt3A_233, %lt3A_235 : i1
      %and3A_237 = arith.andi %ne3A_236, %ne3A_231 : i1
      %add3A_238 = arith.addi %rem3A_229, %select_n3A_228 : i32
      %select_n3A_239 = arith.select %and3A_237, %add3A_238, %rem3A_229 : i32
      %mul3A_240 = arith.constant 16 : i32
      %mul3A_241 = arith.muli %scan3A_223, %mul3A_240 : i32
      %add3A_242 = arith.addi %mul3A_76, %mul3A_241 : i32
      %dma_wait3A_243 = arith.constant 0 : i32
      %dma_wait3A_244 = arith.constant 0 : i32
      %dma_wait3A_245 = arith.constant 0 : i32
      %dma_wait3A_246 = tpu.memref_slice %arg6[%select_n3A_239, %dma_wait3A_243, %dma_wait3A_244, %dma_wait3A_245] : memref<4x16x16x16xi32, #tpu.memory_space<vmem>> -> memref<1x16x16x16xi32, #tpu.memory_space<vmem>>
      %dma_wait3A_247 = tpu.memref_squeeze %dma_wait3A_246 : memref<1x16x16x16xi32, #tpu.memory_space<vmem>> -> memref<16x16x16xi32, #tpu.memory_space<vmem>>
      %dma_wait3A_248 = tpu.memref_slice %arg2[%add3A_242, %mul3A_74, %mul3A_72] : memref<4096x64x64xi32, #tpu.memory_space<hbm>> -> memref<16x16x16xi32, #tpu.memory_space<hbm>>
      %dma_wait3A_249 = tpu.memref_slice %arg8[%select_n3A_239] : memref<4x!tpu.dma_semaphore, #tpu.memory_space<semaphore_mem>> -> memref<1x!tpu.dma_semaphore, #tpu.memory_space<semaphore_mem>>
      %dma_wait3A_250 = tpu.memref_squeeze %dma_wait3A_249 : memref<1x!tpu.dma_semaphore, #tpu.memory_space<semaphore_mem>> -> memref<!tpu.dma_semaphore, #tpu.memory_space<semaphore_mem>>
      %dma_wait3A_251 = arith.constant 0 : i32
      %dma_wait3A_252 = arith.constant 0 : i32
      %dma_wait3A_253 = arith.constant 0 : i32
      %dma_wait3A_254 = tpu.memref_slice %arg6[%select_n3A_239, %dma_wait3A_251, %dma_wait3A_252, %dma_wait3A_253] : memref<4x16x16x16xi32, #tpu.memory_space<vmem>> -> memref<1x16x16x16xi32, #tpu.memory_space<vmem>>
      %dma_wait3A_255 = tpu.memref_squeeze %dma_wait3A_254 : memref<1x16x16x16xi32, #tpu.memory_space<vmem>> -> memref<16x16x16xi32, #tpu.memory_space<vmem>>
      %dma_wait3A_256 = tpu.memref_slice %arg2[%add3A_242, %mul3A_74, %mul3A_72] : memref<4096x64x64xi32, #tpu.memory_space<hbm>> -> memref<16x16x16xi32, #tpu.memory_space<hbm>>
      tpu.wait_dma2 semaphore(%dma_wait3A_250 : memref<!tpu.dma_semaphore, #tpu.memory_space<semaphore_mem>>) src(%dma_wait3A_256 : memref<16x16x16xi32, #tpu.memory_space<hbm>>) dst(%dma_wait3A_255 : memref<16x16x16xi32, #tpu.memory_space<vmem>>)
      %ge3A = arith.constant 4 : i32
      %ge3A_257 = arith.cmpi sge, %scan3A_223, %ge3A : i32
      %convert_element_type3A = arith.extui %ge3A_257 : i1 to i32
      %cond3A = arith.constant 0 : i32
      %cond3A_258 = arith.cmpi ne, %convert_element_type3A, %cond3A : i32
      scf.if %cond3A_258 {
        %sub3A_285 = arith.constant 4 : i32
        %sub3A_286 = arith.subi %scan3A_223, %sub3A_285 : i32
        %mul3A_287 = arith.constant 16 : i32
        %mul3A_288 = arith.muli %sub3A_286, %mul3A_287 : i32
        %add3A_289 = arith.addi %mul3A_76, %mul3A_288 : i32
        %dma_wait3A_290 = arith.constant 0 : i32
        %dma_wait3A_291 = arith.constant 0 : i32
        %dma_wait3A_292 = arith.constant 0 : i32
        %dma_wait3A_293 = tpu.memref_slice %arg7[%select_n3A_239, %dma_wait3A_290, %dma_wait3A_291, %dma_wait3A_292] : memref<4x16x16x16xf32, #tpu.memory_space<vmem>> -> memref<1x16x16x16xf32, #tpu.memory_space<vmem>>
        %dma_wait3A_294 = tpu.memref_squeeze %dma_wait3A_293 : memref<1x16x16x16xf32, #tpu.memory_space<vmem>> -> memref<16x16x16xf32, #tpu.memory_space<vmem>>
        %dma_wait3A_295 = tpu.memref_slice %arg4[%add3A_289, %mul3A_72, %mul3A_74] : memref<4096x64x64xf32, #tpu.memory_space<hbm>> -> memref<16x16x16xf32, #tpu.memory_space<hbm>>
        %dma_wait3A_296 = tpu.memref_slice %arg9[%select_n3A_239] : memref<4x!tpu.dma_semaphore, #tpu.memory_space<semaphore_mem>> -> memref<1x!tpu.dma_semaphore, #tpu.memory_space<semaphore_mem>>
        %dma_wait3A_297 = tpu.memref_squeeze %dma_wait3A_296 : memref<1x!tpu.dma_semaphore, #tpu.memory_space<semaphore_mem>> -> memref<!tpu.dma_semaphore, #tpu.memory_space<semaphore_mem>>
        %dma_wait3A_298 = tpu.memref_slice %arg4[%add3A_289, %mul3A_72, %mul3A_74] : memref<4096x64x64xf32, #tpu.memory_space<hbm>> -> memref<16x16x16xf32, #tpu.memory_space<hbm>>
        %dma_wait3A_299 = arith.constant 0 : i32
        %dma_wait3A_300 = arith.constant 0 : i32
        %dma_wait3A_301 = arith.constant 0 : i32
        %dma_wait3A_302 = tpu.memref_slice %arg7[%select_n3A_239, %dma_wait3A_299, %dma_wait3A_300, %dma_wait3A_301] : memref<4x16x16x16xf32, #tpu.memory_space<vmem>> -> memref<1x16x16x16xf32, #tpu.memory_space<vmem>>
        %dma_wait3A_303 = tpu.memref_squeeze %dma_wait3A_302 : memref<1x16x16x16xf32, #tpu.memory_space<vmem>> -> memref<16x16x16xf32, #tpu.memory_space<vmem>>
        tpu.wait_dma2 semaphore(%dma_wait3A_297 : memref<!tpu.dma_semaphore, #tpu.memory_space<semaphore_mem>>) src(%dma_wait3A_303 : memref<16x16x16xf32, #tpu.memory_space<vmem>>) dst(%dma_wait3A_298 : memref<16x16x16xf32, #tpu.memory_space<hbm>>)
      } else {
      }
      %parallel_loop3A = arith.constant 0 : i32
      %parallel_loop3A_259 = arith.constant 256 : i32
      %parallel_loop3A_260 = arith.constant 1 : i32
      scf.for %parallel_loop3A_285 = %parallel_loop3A to %parallel_loop3A_259 step %parallel_loop3A_260  : i32 {
        %parallel_loop3A_286 = arith.constant 16 : i32
        %parallel_loop3A_287 = arith.divsi %parallel_loop3A_285, %parallel_loop3A_286 : i32
        %parallel_loop3A_288 = arith.constant 0 : i32
        %parallel_loop3A_289 = arith.cmpi sgt, %parallel_loop3A_285, %parallel_loop3A_288 : i32
        %parallel_loop3A_290 = arith.extui %parallel_loop3A_289 : i1 to i32
        %parallel_loop3A_291 = arith.constant 0 : i32
        %parallel_loop3A_292 = arith.cmpi slt, %parallel_loop3A_285, %parallel_loop3A_291 : i32
        %parallel_loop3A_293 = arith.extui %parallel_loop3A_292 : i1 to i32
        %parallel_loop3A_294 = arith.subi %parallel_loop3A_290, %parallel_loop3A_293 : i32
        %parallel_loop3A_295 = arith.constant 0 : i32
        %parallel_loop3A_296 = arith.cmpi sgt, %parallel_loop3A_286, %parallel_loop3A_295 : i32
        %parallel_loop3A_297 = arith.extui %parallel_loop3A_296 : i1 to i32
        %parallel_loop3A_298 = arith.constant 0 : i32
        %parallel_loop3A_299 = arith.cmpi slt, %parallel_loop3A_286, %parallel_loop3A_298 : i32
        %parallel_loop3A_300 = arith.extui %parallel_loop3A_299 : i1 to i32
        %parallel_loop3A_301 = arith.subi %parallel_loop3A_297, %parallel_loop3A_300 : i32
        %parallel_loop3A_302 = arith.cmpi ne, %parallel_loop3A_294, %parallel_loop3A_301 : i32
        %parallel_loop3A_303 = arith.remsi %parallel_loop3A_285, %parallel_loop3A_286 : i32
        %parallel_loop3A_304 = arith.constant 0 : i32
        %parallel_loop3A_305 = arith.cmpi ne, %parallel_loop3A_303, %parallel_loop3A_304 : i32
        %parallel_loop3A_306 = arith.andi %parallel_loop3A_302, %parallel_loop3A_305 : i1
        %parallel_loop3A_307 = arith.constant 1 : i32
        %parallel_loop3A_308 = arith.subi %parallel_loop3A_287, %parallel_loop3A_307 : i32
        %parallel_loop3A_309 = arith.select %parallel_loop3A_306, %parallel_loop3A_308, %parallel_loop3A_287 : i32
        %parallel_loop3A_310 = arith.constant 16 : i32
        %parallel_loop3A_311 = arith.constant 0 : i32
        %parallel_loop3A_312 = arith.cmpi eq, %parallel_loop3A_310, %parallel_loop3A_311 : i32
        %parallel_loop3A_313 = arith.constant 1 : i32
        %parallel_loop3A_314 = arith.select %parallel_loop3A_312, %parallel_loop3A_313, %parallel_loop3A_310 : i32
        %parallel_loop3A_315 = arith.remsi %parallel_loop3A_285, %parallel_loop3A_314 : i32
        %parallel_loop3A_316 = arith.constant 0 : i32
        %parallel_loop3A_317 = arith.cmpi ne, %parallel_loop3A_315, %parallel_loop3A_316 : i32
        %parallel_loop3A_318 = arith.constant 0 : i32
        %parallel_loop3A_319 = arith.cmpi slt, %parallel_loop3A_315, %parallel_loop3A_318 : i32
        %parallel_loop3A_320 = arith.constant 0 : i32
        %parallel_loop3A_321 = arith.cmpi slt, %parallel_loop3A_314, %parallel_loop3A_320 : i32
        %parallel_loop3A_322 = arith.xori %parallel_loop3A_319, %parallel_loop3A_321 : i1
        %parallel_loop3A_323 = arith.andi %parallel_loop3A_322, %parallel_loop3A_317 : i1
        %parallel_loop3A_324 = arith.addi %parallel_loop3A_315, %parallel_loop3A_314 : i32
        %parallel_loop3A_325 = arith.select %parallel_loop3A_323, %parallel_loop3A_324, %parallel_loop3A_315 : i32
        %parallel_loop3A_326 = arith.index_cast %select_n3A_239 : i32 to index
        %parallel_loop3A_327 = arith.index_cast %parallel_loop3A_309 : i32 to index
        %parallel_loop3A_328 = arith.index_cast %parallel_loop3A_325 : i32 to index
        %parallel_loop3A_329 = arith.constant 0 : index
        %parallel_loop3A_330 = tpu.vector_load %arg6[%parallel_loop3A_326, %parallel_loop3A_327, %parallel_loop3A_328, %parallel_loop3A_329] {strides = array<i32>} : memref<4x16x16x16xi32, #tpu.memory_space<vmem>>, vector<16xi32>,
        %parallel_loop3A_331 = vector.broadcast %parallel_loop3A_325 : i32 to vector<16xi32>
        %parallel_loop3A_332 = tpu.vector_load_idx %arg5[%iota3A, %parallel_loop3A_331, %parallel_loop3A_330] : memref<16x16x256xf32, #tpu.memory_space<vmem>>[vector<16xi32>, vector<16xi32>, vector<16xi32>], vector<16xf32>,
        %parallel_loop3A_333 = vector.broadcast %select_n3A_239 : i32 to vector<16xi32>
        %parallel_loop3A_334 = vector.broadcast %parallel_loop3A_309 : i32 to vector<16xi32>
        tpu.vector_store_idx %arg7[%parallel_loop3A_333, %parallel_loop3A_334, %iota3A, %parallel_loop3A_331], %parallel_loop3A_332 : memref<4x16x16x16xf32, #tpu.memory_space<vmem>>[vector<16xi32>, vector<16xi32>, vector<16xi32>, vector<16xi32>], vector<16xf32>,
      } {sc.loop_unroll_factor = 8 : i64, sc.parallel_access}
      %mul3A_261 = arith.constant 16 : i32
      %mul3A_262 = arith.muli %scan3A_223, %mul3A_261 : i32
      %add3A_263 = arith.addi %mul3A_76, %mul3A_262 : i32
      %dma_start3A_264 = arith.constant 0 : i32
      %dma_start3A_265 = arith.constant 0 : i32
      %dma_start3A_266 = arith.constant 0 : i32
      %dma_start3A_267 = tpu.memref_slice %arg7[%select_n3A_239, %dma_start3A_264, %dma_start3A_265, %dma_start3A_266] : memref<4x16x16x16xf32, #tpu.memory_space<vmem>> -> memref<1x16x16x16xf32, #tpu.memory_space<vmem>>
      %dma_start3A_268 = tpu.memref_squeeze %dma_start3A_267 : memref<1x16x16x16xf32, #tpu.memory_space<vmem>> -> memref<16x16x16xf32, #tpu.memory_space<vmem>>
      %dma_start3A_269 = tpu.memref_slice %arg4[%add3A_263, %mul3A_72, %mul3A_74] : memref<4096x64x64xf32, #tpu.memory_space<hbm>> -> memref<16x16x16xf32, #tpu.memory_space<hbm>>
      %dma_start3A_270 = tpu.memref_slice %arg9[%select_n3A_239] : memref<4x!tpu.dma_semaphore, #tpu.memory_space<semaphore_mem>> -> memref<1x!tpu.dma_semaphore, #tpu.memory_space<semaphore_mem>>
      %dma_start3A_271 = tpu.memref_squeeze %dma_start3A_270 : memref<1x!tpu.dma_semaphore, #tpu.memory_space<semaphore_mem>> -> memref<!tpu.dma_semaphore, #tpu.memory_space<semaphore_mem>>
      %dma_start3A_272 = tpu.memref_slice %arg4[%add3A_263, %mul3A_72, %mul3A_74] : memref<4096x64x64xf32, #tpu.memory_space<hbm>> -> memref<16x16x16xf32, #tpu.memory_space<hbm>>
      %dma_start3A_273 = arith.constant 0 : i32
      %dma_start3A_274 = arith.constant 0 : i32
      %dma_start3A_275 = arith.constant 0 : i32
      %dma_start3A_276 = tpu.memref_slice %arg7[%select_n3A_239, %dma_start3A_273, %dma_start3A_274, %dma_start3A_275] : memref<4x16x16x16xf32, #tpu.memory_space<vmem>> -> memref<1x16x16x16xf32, #tpu.memory_space<vmem>>
      %dma_start3A_277 = tpu.memref_squeeze %dma_start3A_276 : memref<1x16x16x16xf32, #tpu.memory_space<vmem>> -> memref<16x16x16xf32, #tpu.memory_space<vmem>>
      tpu.enqueue_dma source(%dma_start3A_277 : memref<16x16x16xf32, #tpu.memory_space<vmem>>) target(%dma_start3A_272 : memref<16x16x16xf32, #tpu.memory_space<hbm>>) target_semaphore(%dma_start3A_271 : memref<!tpu.dma_semaphore, #tpu.memory_space<semaphore_mem>>)
      %add3A_278 = arith.constant 4 : i32
      %add3A_279 = arith.addi %scan3A_223, %add3A_278 : i32
      %lt3A_280 = arith.constant 128 : i32
      %lt3A_281 = arith.cmpi slt, %add3A_279, %lt3A_280 : i32
      %convert_element_type3A_282 = arith.extui %lt3A_281 : i1 to i32
      %cond3A_283 = arith.constant 0 : i32
      %cond3A_284 = arith.cmpi ne, %convert_element_type3A_282, %cond3A_283 : i32
      scf.if %cond3A_284 {
        %add3A_285 = arith.constant 4 : i32
        %add3A_286 = arith.addi %scan3A_223, %add3A_285 : i32
        %mul3A_287 = arith.constant 16 : i32
        %mul3A_288 = arith.muli %add3A_286, %mul3A_287 : i32
        %add3A_289 = arith.addi %mul3A_76, %mul3A_288 : i32
        %dma_start3A_290 = arith.constant 0 : i32
        %dma_start3A_291 = arith.constant 0 : i32
        %dma_start3A_292 = arith.constant 0 : i32
        %dma_start3A_293 = tpu.memref_slice %arg6[%select_n3A_239, %dma_start3A_290, %dma_start3A_291, %dma_start3A_292] : memref<4x16x16x16xi32, #tpu.memory_space<vmem>> -> memref<1x16x16x16xi32, #tpu.memory_space<vmem>>
        %dma_start3A_294 = tpu.memref_squeeze %dma_start3A_293 : memref<1x16x16x16xi32, #tpu.memory_space<vmem>> -> memref<16x16x16xi32, #tpu.memory_space<vmem>>
        %dma_start3A_295 = tpu.memref_slice %arg2[%add3A_289, %mul3A_74, %mul3A_72] : memref<4096x64x64xi32, #tpu.memory_space<hbm>> -> memref<16x16x16xi32, #tpu.memory_space<hbm>>
        %dma_start3A_296 = tpu.memref_slice %arg8[%select_n3A_239] : memref<4x!tpu.dma_semaphore, #tpu.memory_space<semaphore_mem>> -> memref<1x!tpu.dma_semaphore, #tpu.memory_space<semaphore_mem>>
        %dma_start3A_297 = tpu.memref_squeeze %dma_start3A_296 : memref<1x!tpu.dma_semaphore, #tpu.memory_space<semaphore_mem>> -> memref<!tpu.dma_semaphore, #tpu.memory_space<semaphore_mem>>
        %dma_start3A_298 = arith.constant 0 : i32
        %dma_start3A_299 = arith.constant 0 : i32
        %dma_start3A_300 = arith.constant 0 : i32
        %dma_start3A_301 = tpu.memref_slice %arg6[%select_n3A_239, %dma_start3A_298, %dma_start3A_299, %dma_start3A_300] : memref<4x16x16x16xi32, #tpu.memory_space<vmem>> -> memref<1x16x16x16xi32, #tpu.memory_space<vmem>>
        %dma_start3A_302 = tpu.memref_squeeze %dma_start3A_301 : memref<1x16x16x16xi32, #tpu.memory_space<vmem>> -> memref<16x16x16xi32, #tpu.memory_space<vmem>>
        %dma_start3A_303 = tpu.memref_slice %arg2[%add3A_289, %mul3A_74, %mul3A_72] : memref<4096x64x64xi32, #tpu.memory_space<hbm>> -> memref<16x16x16xi32, #tpu.memory_space<hbm>>
        tpu.enqueue_dma source(%dma_start3A_303 : memref<16x16x16xi32, #tpu.memory_space<hbm>>) target(%dma_start3A_302 : memref<16x16x16xi32, #tpu.memory_space<vmem>>) target_semaphore(%dma_start3A_297 : memref<!tpu.dma_semaphore, #tpu.memory_space<semaphore_mem>>)
      } else {
      }
    }
    %scan3A_151 = arith.constant 128 : i32
    %add3A_152 = arith.constant 1984 : i32
    %add3A_153 = arith.addi %mul3A_76, %add3A_152 : i32
    %dma_wait3A = arith.constant 0 : i32
    %dma_wait3A_154 = arith.constant 0 : i32
    %dma_wait3A_155 = arith.constant 0 : i32
    %dma_wait3A_156 = arith.constant 0 : i32
    %dma_wait3A_157 = arith.constant 0 : i32
    %dma_wait3A_158 = tpu.memref_slice %arg7[%dma_wait3A, %dma_wait3A_155, %dma_wait3A_156, %dma_wait3A_157] : memref<4x16x16x16xf32, #tpu.memory_space<vmem>> -> memref<1x16x16x16xf32, #tpu.memory_space<vmem>>
    %dma_wait3A_159 = tpu.memref_squeeze %dma_wait3A_158 : memref<1x16x16x16xf32, #tpu.memory_space<vmem>> -> memref<16x16x16xf32, #tpu.memory_space<vmem>>
    %dma_wait3A_160 = tpu.memref_slice %arg4[%add3A_153, %mul3A_72, %mul3A_74] : memref<4096x64x64xf32, #tpu.memory_space<hbm>> -> memref<16x16x16xf32, #tpu.memory_space<hbm>>
    %dma_wait3A_161 = tpu.memref_slice %arg9[%dma_wait3A_154] : memref<4x!tpu.dma_semaphore, #tpu.memory_space<semaphore_mem>> -> memref<1x!tpu.dma_semaphore, #tpu.memory_space<semaphore_mem>>
    %dma_wait3A_162 = tpu.memref_squeeze %dma_wait3A_161 : memref<1x!tpu.dma_semaphore, #tpu.memory_space<semaphore_mem>> -> memref<!tpu.dma_semaphore, #tpu.memory_space<semaphore_mem>>
    %dma_wait3A_163 = tpu.memref_slice %arg4[%add3A_153, %mul3A_72, %mul3A_74] : memref<4096x64x64xf32, #tpu.memory_space<hbm>> -> memref<16x16x16xf32, #tpu.memory_space<hbm>>
    %dma_wait3A_164 = arith.constant 0 : i32
    %dma_wait3A_165 = arith.constant 0 : i32
    %dma_wait3A_166 = arith.constant 0 : i32
    %dma_wait3A_167 = tpu.memref_slice %arg7[%dma_wait3A, %dma_wait3A_164, %dma_wait3A_165, %dma_wait3A_166] : memref<4x16x16x16xf32, #tpu.memory_space<vmem>> -> memref<1x16x16x16xf32, #tpu.memory_space<vmem>>
    %dma_wait3A_168 = tpu.memref_squeeze %dma_wait3A_167 : memref<1x16x16x16xf32, #tpu.memory_space<vmem>> -> memref<16x16x16xf32, #tpu.memory_space<vmem>>
    tpu.wait_dma2 semaphore(%dma_wait3A_162 : memref<!tpu.dma_semaphore, #tpu.memory_space<semaphore_mem>>) src(%dma_wait3A_168 : memref<16x16x16xf32, #tpu.memory_space<vmem>>) dst(%dma_wait3A_163 : memref<16x16x16xf32, #tpu.memory_space<hbm>>)
    %add3A_169 = arith.constant 2000 : i32
    %add3A_170 = arith.addi %mul3A_76, %add3A_169 : i32
    %dma_wait3A_171 = arith.constant 1 : i32
    %dma_wait3A_172 = arith.constant 1 : i32
    %dma_wait3A_173 = arith.constant 0 : i32
    %dma_wait3A_174 = arith.constant 0 : i32
    %dma_wait3A_175 = arith.constant 0 : i32
    %dma_wait3A_176 = tpu.memref_slice %arg7[%dma_wait3A_171, %dma_wait3A_173, %dma_wait3A_174, %dma_wait3A_175] : memref<4x16x16x16xf32, #tpu.memory_space<vmem>> -> memref<1x16x16x16xf32, #tpu.memory_space<vmem>>
    %dma_wait3A_177 = tpu.memref_squeeze %dma_wait3A_176 : memref<1x16x16x16xf32, #tpu.memory_space<vmem>> -> memref<16x16x16xf32, #tpu.memory_space<vmem>>
    %dma_wait3A_178 = tpu.memref_slice %arg4[%add3A_170, %mul3A_72, %mul3A_74] : memref<4096x64x64xf32, #tpu.memory_space<hbm>> -> memref<16x16x16xf32, #tpu.memory_space<hbm>>
    %dma_wait3A_179 = tpu.memref_slice %arg9[%dma_wait3A_172] : memref<4x!tpu.dma_semaphore, #tpu.memory_space<semaphore_mem>> -> memref<1x!tpu.dma_semaphore, #tpu.memory_space<semaphore_mem>>
    %dma_wait3A_180 = tpu.memref_squeeze %dma_wait3A_179 : memref<1x!tpu.dma_semaphore, #tpu.memory_space<semaphore_mem>> -> memref<!tpu.dma_semaphore, #tpu.memory_space<semaphore_mem>>
    %dma_wait3A_181 = tpu.memref_slice %arg4[%add3A_170, %mul3A_72, %mul3A_74] : memref<4096x64x64xf32, #tpu.memory_space<hbm>> -> memref<16x16x16xf32, #tpu.memory_space<hbm>>
    %dma_wait3A_182 = arith.constant 0 : i32
    %dma_wait3A_183 = arith.constant 0 : i32
    %dma_wait3A_184 = arith.constant 0 : i32
    %dma_wait3A_185 = tpu.memref_slice %arg7[%dma_wait3A_171, %dma_wait3A_182, %dma_wait3A_183, %dma_wait3A_184] : memref<4x16x16x16xf32, #tpu.memory_space<vmem>> -> memref<1x16x16x16xf32, #tpu.memory_space<vmem>>
    %dma_wait3A_186 = tpu.memref_squeeze %dma_wait3A_185 : memref<1x16x16x16xf32, #tpu.memory_space<vmem>> -> memref<16x16x16xf32, #tpu.memory_space<vmem>>
    tpu.wait_dma2 semaphore(%dma_wait3A_180 : memref<!tpu.dma_semaphore, #tpu.memory_space<semaphore_mem>>) src(%dma_wait3A_186 : memref<16x16x16xf32, #tpu.memory_space<vmem>>) dst(%dma_wait3A_181 : memref<16x16x16xf32, #tpu.memory_space<hbm>>)
    %add3A_187 = arith.constant 2016 : i32
    %add3A_188 = arith.addi %mul3A_76, %add3A_187 : i32
    %dma_wait3A_189 = arith.constant 2 : i32
    %dma_wait3A_190 = arith.constant 2 : i32
    %dma_wait3A_191 = arith.constant 0 : i32
    %dma_wait3A_192 = arith.constant 0 : i32
    %dma_wait3A_193 = arith.constant 0 : i32
    %dma_wait3A_194 = tpu.memref_slice %arg7[%dma_wait3A_189, %dma_wait3A_191, %dma_wait3A_192, %dma_wait3A_193] : memref<4x16x16x16xf32, #tpu.memory_space<vmem>> -> memref<1x16x16x16xf32, #tpu.memory_space<vmem>>
    %dma_wait3A_195 = tpu.memref_squeeze %dma_wait3A_194 : memref<1x16x16x16xf32, #tpu.memory_space<vmem>> -> memref<16x16x16xf32, #tpu.memory_space<vmem>>
    %dma_wait3A_196 = tpu.memref_slice %arg4[%add3A_188, %mul3A_72, %mul3A_74] : memref<4096x64x64xf32, #tpu.memory_space<hbm>> -> memref<16x16x16xf32, #tpu.memory_space<hbm>>
    %dma_wait3A_197 = tpu.memref_slice %arg9[%dma_wait3A_190] : memref<4x!tpu.dma_semaphore, #tpu.memory_space<semaphore_mem>> -> memref<1x!tpu.dma_semaphore, #tpu.memory_space<semaphore_mem>>
    %dma_wait3A_198 = tpu.memref_squeeze %dma_wait3A_197 : memref<1x!tpu.dma_semaphore, #tpu.memory_space<semaphore_mem>> -> memref<!tpu.dma_semaphore, #tpu.memory_space<semaphore_mem>>
    %dma_wait3A_199 = tpu.memref_slice %arg4[%add3A_188, %mul3A_72, %mul3A_74] : memref<4096x64x64xf32, #tpu.memory_space<hbm>> -> memref<16x16x16xf32, #tpu.memory_space<hbm>>
    %dma_wait3A_200 = arith.constant 0 : i32
    %dma_wait3A_201 = arith.constant 0 : i32
    %dma_wait3A_202 = arith.constant 0 : i32
    %dma_wait3A_203 = tpu.memref_slice %arg7[%dma_wait3A_189, %dma_wait3A_200, %dma_wait3A_201, %dma_wait3A_202] : memref<4x16x16x16xf32, #tpu.memory_space<vmem>> -> memref<1x16x16x16xf32, #tpu.memory_space<vmem>>
    %dma_wait3A_204 = tpu.memref_squeeze %dma_wait3A_203 : memref<1x16x16x16xf32, #tpu.memory_space<vmem>> -> memref<16x16x16xf32, #tpu.memory_space<vmem>>
    tpu.wait_dma2 semaphore(%dma_wait3A_198 : memref<!tpu.dma_semaphore, #tpu.memory_space<semaphore_mem>>) src(%dma_wait3A_204 : memref<16x16x16xf32, #tpu.memory_space<vmem>>) dst(%dma_wait3A_199 : memref<16x16x16xf32, #tpu.memory_space<hbm>>)
    %add3A_205 = arith.constant 2032 : i32
    %add3A_206 = arith.addi %mul3A_76, %add3A_205 : i32
    %dma_wait3A_207 = arith.constant 3 : i32
    %dma_wait3A_208 = arith.constant 3 : i32
    %dma_wait3A_209 = arith.constant 0 : i32
    %dma_wait3A_210 = arith.constant 0 : i32
    %dma_wait3A_211 = arith.constant 0 : i32
    %dma_wait3A_212 = tpu.memref_slice %arg7[%dma_wait3A_207, %dma_wait3A_209, %dma_wait3A_210, %dma_wait3A_211] : memref<4x16x16x16xf32, #tpu.memory_space<vmem>> -> memref<1x16x16x16xf32, #tpu.memory_space<vmem>>
    %dma_wait3A_213 = tpu.memref_squeeze %dma_wait3A_212 : memref<1x16x16x16xf32, #tpu.memory_space<vmem>> -> memref<16x16x16xf32, #tpu.memory_space<vmem>>
    %dma_wait3A_214 = tpu.memref_slice %arg4[%add3A_206, %mul3A_72, %mul3A_74] : memref<4096x64x64xf32, #tpu.memory_space<hbm>> -> memref<16x16x16xf32, #tpu.memory_space<hbm>>
    %dma_wait3A_215 = tpu.memref_slice %arg9[%dma_wait3A_208] : memref<4x!tpu.dma_semaphore, #tpu.memory_space<semaphore_mem>> -> memref<1x!tpu.dma_semaphore, #tpu.memory_space<semaphore_mem>>
    %dma_wait3A_216 = tpu.memref_squeeze %dma_wait3A_215 : memref<1x!tpu.dma_semaphore, #tpu.memory_space<semaphore_mem>> -> memref<!tpu.dma_semaphore, #tpu.memory_space<semaphore_mem>>
    %dma_wait3A_217 = tpu.memref_slice %arg4[%add3A_206, %mul3A_72, %mul3A_74] : memref<4096x64x64xf32, #tpu.memory_space<hbm>> -> memref<16x16x16xf32, #tpu.memory_space<hbm>>
    %dma_wait3A_218 = arith.constant 0 : i32
    %dma_wait3A_219 = arith.constant 0 : i32
    %dma_wait3A_220 = arith.constant 0 : i32
    %dma_wait3A_221 = tpu.memref_slice %arg7[%dma_wait3A_207, %dma_wait3A_218, %dma_wait3A_219, %dma_wait3A_220] : memref<4x16x16x16xf32, #tpu.memory_space<vmem>> -> memref<1x16x16x16xf32, #tpu.memory_space<vmem>>
    %dma_wait3A_222 = tpu.memref_squeeze %dma_wait3A_221 : memref<1x16x16x16xf32, #tpu.memory_space<vmem>> -> memref<16x16x16xf32, #tpu.memory_space<vmem>>
    tpu.wait_dma2 semaphore(%dma_wait3A_216 : memref<!tpu.dma_semaphore, #tpu.memory_space<semaphore_mem>>) src(%dma_wait3A_222 : memref<16x16x16xf32, #tpu.memory_space<vmem>>) dst(%dma_wait3A_217 : memref<16x16x16xf32, #tpu.memory_space<hbm>>)
    return
  }
}

</mosaic_0001>

<sc_bundles>
// kernel: kernel.3.cloned.1.call-start
scs
__scs_entry_jumppad:
0x0: {  	(pc) =	sbr.rel $0x88, $3  }
0x1: {  	(tag) =	ssettag $0x0;
	lr =	simm.s32 $0x1  }
0x2: {  	[smem:$0x3F9F] =	sst lr;
	_ =	strace $0xD0000000  }
0x3: {  	_ = 	snop  }
0x4: {  	_ = 	snop  }
0x5: {  	_ = 	snop  }
0x6: {  	_ = 	snop  }
0x7: {  	_ = 	snop  }
__scs_overlays_trampoline_lowered:
0x8: {  	[smem:$0x3FAE] =	sst s0  }
0x9: {  	[smem:$0x3FAF] =	sst s1  }
0xa: {  	[smem:$0x3FB0] =	sst s2  }
0xb: {  	[smem:$0x3FB1] =	sst s3  }
0xc: {  	[smem:$0x3FB2] =	sst s4  }
0xd: {  	[smem:$0x3FB3] =	sst s5  }
0xe: {  	[smem:$0x3FB4] =	sst s6  }
0xf: {  	[smem:$0x3FB5] =	sst s7  }
0x10: {  	[smem:$0x3FB6] =	sst s8  }
0x11: {  	[smem:$0x3FB7] =	sst s9;
	s0 =	simm.s32 @!p0 $0x0  }
0x12: {  	s1 =	sld [smem:$0x3F9D];
	s0 =	simm.s32 @p0 $0x1  }
0x13: {  	[smem:$0x3FB8] =	sst s0;
	s0 =	simm.s32 @!p1 $0x0  }
0x14: {  	s2 =	sld [smem:$0x3F9C];
	s0 =	simm.s32 @p1 $0x1  }
0x15: {  	[smem:$0x3FB9] =	sst s0;
	s0 =	simm.s32 @!p2 $0x0  }
0x16: {  	s3 =	sld [smem:$0x3FDB];
	s0 =	simm.s32 @p2 $0x1  }
0x17: {  	s4 =	simm.s32 $0x1BF5;
	[smem:$0x3FBB] =	sst s0  }
0x18: {  	s0 =	sld [smem:$0x3F9E];
	_ =	swait.ge [sflag:s4], $0x0  }
0x19: {  	s7 =	sld [smem:$0x3F9F]  }
0x1a: {  	s8 =	sadd.s32 $0xFFFFE003, lr  }
0x1b: {  	s9 =	sadd.s32 $0xFFFFFEF7, lr;
	s5 =	simm.s32 $0xFFFFFFFF;
	p2 =	slt.u32 s8, $0xFFFFF086  }
0x1c: {  	p1 =	slt.u32 s9, $0xF7A;
	s5 =	simm.s32 @!p2 $0x0  }
0x1d: {  	s5 =	simm.s32 @p1 $0x1;
	p0 =	seq.s32 s7, s2  }
0x1e: {  	s7 =	smul.u32 @!p0 $0xF7A, s2;
	p2 =	seq.s32 @!p0 s5, $0x0  }
0x1f: {  	s9 =	smul.u32 $0xF7A, s1;
	s8 =	simm.s32 @!p0 $0x1BF5;
	p2 =	por !p2, p0  }
0x20: {  	[sflag:s8] =	ssyncset.s32 @!p0 $0xFFFFF086;
	s6 =	sadd.s32 @!p0 s3, s7;
	s7 =	simm.s32 @!p0 $0x108  }
0x21: {  	s3 =	sadd.s32 s3, s9;
	s6 =	sadd.s32 @!p0 $0x88, s6;
	s7 =	simm.s32 @p2 $0x1082  }
0x22: {  	[simem:s7], [sflag:s8] =	dma.local @!p0 [hbm:s6], $0xF7A  }
0x23: {  	s9 =	sor.u32 $0xD0000000, s2;
	s6 =	simm.s32 $0x108;
	_ =	swait.ge @!p0 [sflag:s8], $0x0  }
0x24: {  	s3 =	sadd.s32 $0x88, s3;
	s6 =	simm.s32 @!p1 $0x1082;
	[sflag:s4] =	ssyncset.s32 $0xFFFFF086  }
0x25: {  	[simem:s6], [sflag:s4] =	dma.local [hbm:s3], $0xF7A  }
0x26: {  	[smem:$0x3F9F] =	sst s1;
	(tag) =	ssettag s2;
	_ =	strace s9  }
0x27: {  	s1 =	sld [smem:$0x3FAF]  }
0x28: {  	s2 =	sld [smem:$0x3FB0]  }
0x29: {  	s4 =	sld [smem:$0x3FB2]  }
0x2a: {  	p0 =	seq.s32 s5, $0x0;
	s5 =	sld [smem:$0x3FB3]  }
0x2b: {  	s6 =	sld [smem:$0x3FB4]  }
0x2c: {  	s7 =	sld [smem:$0x3FB5]  }
0x2d: {  	s3 =	simm.s32 $0x108;
	s8 =	sld [smem:$0x3FB6]  }
0x2e: {  	s3 =	simm.s32 @!p0 $0x1082;
	s9 =	sld [smem:$0x3FB7]  }
0x2f: {  	lr =	sadd.s32 s0, s3;
	s0 =	sld [smem:$0x3FAE]  }
0x30: {  	s3 =	sld [smem:$0x3FB1]  }
0x31: {  	[smem:$0x3FBA] =	sst s10  }
0x32: {  	s10 =	sld [smem:$0x3FB8];
	_ =	sdelay $0x3  }
0x33: {  	p0 =	seq.s32 s10, $0x1;
	s10 =	sld [smem:$0x3FBA];
	_ =	sdelay $0x3  }
0x34: {  	[smem:$0x3FBA] =	sst s10  }
0x35: {  	s10 =	sld [smem:$0x3FB9];
	_ =	sdelay $0x3  }
0x36: {  	p1 =	seq.s32 s10, $0x1;
	s10 =	sld [smem:$0x3FBA];
	_ =	sdelay $0x3  }
0x37: {  	[smem:$0x3FBA] =	sst s10  }
0x38: {  	s10 =	sld [smem:$0x3FBB]  }
0x39: {  	_ = 	snop;
	(pc) =	sbr.ind lr, $3  }
0x3a: {  	_ = 	snop  }
0x3b: {  	_ = 	snop  }
0x3c: {  	p2 =	seq.s32 s10, $0x1;
	s10 =	sld [smem:$0x3FBA]  }
0x3d: {  	_ =	shalt  }
0x3e: {  	_ =	shalt  }
0x3f: {  	_ =	shalt  }
0x40: {  	_ =	shalt  }
0x41: {  	_ =	shalt  }
0x42: {  	_ =	shalt  }
0x43: {  	_ =	shalt  }
0x44: {  	_ =	shalt  }
0x45: {  	_ =	shalt  }
0x46: {  	_ =	shalt  }
0x47: {  	_ =	shalt  }
0x48: {  	_ =	shalt  }
0x49: {  	_ =	shalt  }
0x4a: {  	_ =	shalt  }
0x4b: {  	_ =	shalt  }
0x4c: {  	_ =	shalt  }
0x4d: {  	_ =	shalt  }
0x4e: {  	_ =	shalt  }
0x4f: {  	_ =	shalt  }
0x50: {  	_ =	shalt  }
0x51: {  	_ =	shalt  }
0x52: {  	_ =	shalt  }
0x53: {  	_ =	shalt  }
0x54: {  	_ =	shalt  }
0x55: {  	_ =	shalt  }
0x56: {  	_ =	shalt  }
0x57: {  	_ =	shalt  }
0x58: {  	_ =	shalt  }
0x59: {  	_ =	shalt  }
0x5a: {  	_ =	shalt  }
0x5b: {  	_ =	shalt  }
0x5c: {  	_ =	shalt  }
0x5d: {  	_ =	shalt  }
0x5e: {  	_ =	shalt  }
0x5f: {  	_ =	shalt  }
0x60: {  	_ =	shalt  }
0x61: {  	_ =	shalt  }
0x62: {  	_ =	shalt  }
0x63: {  	_ =	shalt  }
0x64: {  	_ =	shalt  }
0x65: {  	_ =	shalt  }
0x66: {  	_ =	shalt  }
0x67: {  	_ =	shalt  }
0x68: {  	_ =	shalt  }
0x69: {  	_ =	shalt  }
0x6a: {  	_ =	shalt  }
0x6b: {  	_ =	shalt  }
0x6c: {  	_ =	shalt  }
0x6d: {  	_ =	shalt  }
0x6e: {  	_ =	shalt  }
0x6f: {  	_ =	shalt  }
0x70: {  	_ =	shalt  }
0x71: {  	_ =	shalt  }
0x72: {  	_ =	shalt  }
0x73: {  	_ =	shalt  }
0x74: {  	_ =	shalt  }
0x75: {  	_ =	shalt  }
0x76: {  	_ =	shalt  }
0x77: {  	_ =	shalt  }
0x78: {  	_ =	shalt  }
0x79: {  	_ =	shalt  }
0x7a: {  	_ =	shalt  }
0x7b: {  	_ =	shalt  }
0x7c: {  	_ =	shalt  }
0x7d: {  	_ =	shalt  }
0x7e: {  	_ =	shalt  }
0x7f: {  	_ =	shalt  }
0x80: {  	_ =	shalt  }
0x81: {  	_ =	shalt  }
0x82: {  	_ =	shalt  }
0x83: {  	_ =	shalt  }
0x84: {  	_ =	shalt  }
0x85: {  	_ =	shalt  }
0x86: {  	_ =	shalt  }
0x87: {  	_ =	shalt  }
.Lfunc_end0:
.L_simem_size_0:
called_computation.1_lowered:
.L_overlay_start_0:
0x88: {  	s2 =	sld [smem:$0x3FD9]  }
0x89: {  	s3 =	sld [smem:$0x3FFE];
	_ =	sdelay $0x1  }
0x8a: {  	s1 =	srdreg.scid  }
0x8b: {  	s0 =	sand.u32 $0x1, s1  }
0x8c: {  	s17 =	sshll.u32 s0, $0xA;
	s2 =	sadd.s32 s3, s2  }
0x8d: {  	s2 =	sadd.s32 s2, s17  }
0x8e: {  	[smem:$0x3FC6] =	sst s2  }
0x8f: {  	_ = 	snop  }
0x90: {  	s2 =	sld [smem:$0x3FD0];
	(tm) =	ssettm $0x1  }
0x91: {  	s18 =	sld [smem:$0x3FFB];
	_ =	sdelay $0x3  }
0x92: {  	_ =	strace s18  }
0x93: {  	s3 =	sld [smem:$0x3FFC];
	_ =	sdelay $0x3  }
0x94: {  	_ =	strace s3  }
0x95: {  	s3 =	sld [smem:$0x3FFD];
	_ =	sdelay $0x3  }
0x96: {  	_ =	strace s3  }
0x97: {  	_ =	strace $0x8FFFFFFF  }
0x98: {  	s19 =	sld [smem:$0x3FDB];
	_ =	sdelay $0x1  }
0x99: {  	s4 =	simm.s32 $_scs_section_size  }
0x9a: {  	s5 =	simm.s32 $_size__tile_overlayer_lowered;
	s6 =	simm.s32 $_tile_overlayer_lowered  }
0x9b: {  	s22 =	simm.s32 $0x1BFF;
	s21 =	sshll.u32 s6, $0x1;
	s3 =	sadd.s32 s4, s19  }
0x9c: {  	s7 =	simm.s32 $0x0;
	s20 =	sshll.u32 s5, $0x1;
	s5 =	sadd.s32 s21, s3  }
0x9d: {  	[timem:s7], [sflag:s22] =	dma.local [hbm:s5], s20  }
0x9e: {  	_ =	swait.ge [sflag:s22], s20  }
0x9f: {  	s4 =	ssub.s32 $0x0, s20;
	[sflag:s22] =	ssyncset.done $0x0  }
0xa0: {  	[sflag:s22] =	ssyncadd.s32 s4;
	_ =	sdelay $0x1  }
0xa1: {  	s23 =	simm.s32 $0x1B8B  }
0xa2: {  	_ =	swait.ge [sflag:s23], $0x1  }
0xa3: {  	[sflag:s23] =	ssyncset.done $0x0  }
0xa4: {  	s25 =	simm.s32 $0x1B8E;
	s24 =	sld [smem:$0x3FFE];
	[sflag:s23] =	ssyncadd.s32 $0xFFFFFFFF  }
0xa5: {  	s26 =	simm.s32 $execute0_lowered;
	[smem:$0x3FD2] =	sst s25  }
0xa6: {  	s5 =	sshll.u32 s26, $0x1;
	_ =	strace $0x80000046;
	[dreg:$0x1] =	wrdreg $0xFFFFFFFF  }
0xa7: {  	s28 =	simm.s32 $_size_execute0_lowered;
	s3 =	sadd.s32 s3, s5;
	[dreg:$0x0] =	wrdreg $0x0  }
0xa8: {  	s5 =	sshll.u32 s28, $0x1;
	[dreg:$0x2] =	wrdreg s3  }
0xa9: {  	[dreg:$0x3] =	wrdreg s5  }
0xaa: {  	[dreg:$0x4] =	wrdreg $0xC0  }
0xab: {  	_ =	task [dreg:s7], $0x5FFFF  }
0xac: {  	[dreg:$0x1] =	wrdreg $0xFFFFFFFF  }
0xad: {  	[dreg:$0x0] =	wrdreg $0x60  }
0xae: {  	[dreg:$0x2] =	wrdreg s2  }
0xaf: {  	[dreg:$0x3] =	wrdreg s24  }
0xb0: {  	[dreg:$0x4] =	wrdreg $0x9  }
0xb1: {  	_ =	task.clear_ibuf [dreg:s7], $0x5FFFF;
	_ =	strace $0x90000046  }
0xb2: {  	s29 =	simm.s32 $0x9;
	_ =	strace $0x80000048  }
0xb3: {  	_ =	swait.ge [sflag:s29], $0x1  }
0xb4: {  	[sflag:s29] =	ssyncadd.s32 $0xFFFFFFFF  }
0xb5: {  	_ =	strace $0x90000048  }
0xb6: {  	_ =	sfence  }
0xb7: {  	s30 =	sld [smem:$0x0];
	_ =	sdelay $0x2  }
0xb8: {  	s31 =	sshll.u32 s1, $0xD;
	s1 =	sshrl.u32 s1, $0x2  }
0xb9: {  	s3 =	sand.u32 $0x4000, s31;
	s1 =	sadd.s32 s1, s30  }
0xba: {  	s0 =	sor.u32 s3, s0;
	s1 =	sshll.u32 s1, $0x11  }
0xbb: {  	s0 =	sor.u32 s1, s0  }
0xbc: {  	s0 =	sadd.s32 $0x8F2B, s0  }
0xbd: {  	[sflag:s0] =	ssyncadd.remote.s32 $0x1  }
0xbe: {  	_ =	sfence.sel $0xFFFF  }
0xbf: {  	[dreg:$0x0] =	wrdreg $0xFFFFFFFF;
	(pc) =	sbr.abs _section_cstart, $3  }
0xc0: {  	[dreg:$0x1] =	wrdreg $0xFFFFFFFF  }
0xc1: {  	_ =	task.clear_ibuf [dreg:s7], $0x2FFFF;
	_ =	strace $0x9FFFFFFF  }
0xc2: {  	(tm) =	ssettm $0x7FFFFFFF  }
0xc3: {  	_ =	shalt  }
tec
execute0_lowered:
.L_overlay_start_1:
0x0: {  	(tag) =	ssettag $0x1  }
0x1: {  	s11 =	rddreg [dreg:$0x0]  }
0x2: {  	s0 =	rddreg [dreg:$0x1];
	s2 =	stileid.u32  }
0x3: {  	s1 =	srdreg.scid;
	s3 =	sshll.u32 s2, $0x1;
	s4 =	sshll.u32 s2, $0x3  }
0x4: {  	s1 =	sand.u32 $0x1, s1;
	s7 =	sshll.u32 s2, $0x14;
	s5 =	sand.u32 $0x2, s3  }
0x5: {  	s3 =	simm.s32 $0x0;
	s6 =	sand.u32 $0x30, s4;
	s7 =	sand.u32 $0x800000, s7  }
0x6: {  	s5 =	sor.u32 s1, s5;
	s8 =	sshll.u32 s6, $0x6;
	[smem:$0x7FF] =	sst s3  }
0x7: {  	s19 =	sshll.u32 s6, $0x5;
	s1 =	ssub.s32 $0x2, s1;
	s18 =	sshll.u32 s5, $0x4  }
0x8: {  	_ =	strace $0x80000047;
	s20 =	sshrl.u32 s1, $0x1;
	s22 =	sshll.u32 s5, $0xF  }
0x9: {  	s4 =	sor.u32 s8, s18;
	s8 =	sadd.s32 s19, s0;
	s0 =	sadd.s32 $0x20A00, s0  }
0xa: {  	[dreg:$0x3] =	wrdreg s0;
	s0 =	ssub.s32 s1, s20;
	s1 =	sadd.s32 s22, s8  }
0xb: {  	s9 =	sor.u32 s7, s4;
	s1 =	sadd.s32 $0xA00, s1  }
0xc: {  	s5 =	sshll.u32 s5, $0xA;
	s26 =	sor.u32 $0x40000, s9;
	[dreg:$0x8] =	wrdreg s1  }
0xd: {  	s25 =	sor.u32 s7, s5;
	s0 =	smax.u32 s0, $0x1;
	[dreg:$0xa] =	wrdreg s26  }
0xe: {  	s10 =	sshrl.u32 s9, $0x3;
	s1 =	sor.u32 s6, s25;
	[dreg:$0xb] =	wrdreg s0  }
0xf: {  	s2 =	sadd.s32 s11, s10;
	[dreg:$0x9] =	wrdreg s1  }
0x10: {  	s21 =	sadd.s32 $0x2000, s2;
	[dreg:$0x4] =	wrdreg s2  }
0x11: {  	s23 =	sadd.s32 $0x4000, s2;
	[dreg:$0x5] =	wrdreg s21  }
0x12: {  	s24 =	sadd.s32 $0x6000, s2;
	[dreg:$0x6] =	wrdreg s23  }
0x13: {  	s28 =	sadd.s32 $0x200, s2;
	[dreg:$0x7] =	wrdreg s24  }
0x14: {  	s29 =	sadd.s32 $0x400, s2;
	[dreg:$0xc] =	wrdreg s28  }
0x15: {  	s30 =	sadd.s32 $0x600, s2;
	[dreg:$0xd] =	wrdreg s29  }
0x16: {  	s31 =	sadd.s32 $0x800, s2;
	[dreg:$0xe] =	wrdreg s30  }
0x17: {  	s1 =	sadd.s32 $0xA00, s2;
	[dreg:$0xf] =	wrdreg s31  }
0x18: {  	s4 =	sadd.s32 $0xC00, s2;
	[dreg:$0x10] =	wrdreg s1  }
0x19: {  	s5 =	sadd.s32 $0xE00, s2;
	[dreg:$0x11] =	wrdreg s4  }
0x1a: {  	s6 =	sadd.s32 $0x1000, s2;
	[dreg:$0x12] =	wrdreg s5  }
0x1b: {  	s7 =	sadd.s32 $0x1200, s2;
	[dreg:$0x13] =	wrdreg s6  }
0x1c: {  	s8 =	sadd.s32 $0x1400, s2;
	[dreg:$0x14] =	wrdreg s7  }
0x1d: {  	s9 =	sadd.s32 $0x1600, s2;
	[dreg:$0x15] =	wrdreg s8  }
0x1e: {  	s10 =	sadd.s32 $0x1800, s2;
	[dreg:$0x16] =	wrdreg s9  }
0x1f: {  	s11 =	sadd.s32 $0x1A00, s2;
	[dreg:$0x17] =	wrdreg s10  }
0x20: {  	s12 =	sadd.s32 $0x1C00, s2;
	[dreg:$0x18] =	wrdreg s11  }
0x21: {  	s13 =	sadd.s32 $0x1E00, s2;
	[dreg:$0x19] =	wrdreg s12  }
0x22: {  	s14 =	sadd.s32 $0x2200, s2;
	[dreg:$0x1a] =	wrdreg s13  }
0x23: {  	s15 =	sadd.s32 $0x2400, s2;
	[dreg:$0x1b] =	wrdreg s14  }
0x24: {  	s16 =	sadd.s32 $0x2600, s2;
	[dreg:$0x1c] =	wrdreg s15  }
0x25: {  	s17 =	sadd.s32 $0x2800, s2;
	[dreg:$0x1d] =	wrdreg s16  }
0x26: {  	s18 =	sadd.s32 $0x2A00, s2;
	[dreg:$0x1e] =	wrdreg s17  }
0x27: {  	s19 =	sadd.s32 $0x2C00, s2;
	[dreg:$0x1f] =	wrdreg s18  }
0x28: {  	s20 =	sadd.s32 $0x2E00, s2;
	[smem:$0x7D6] =	sst s19  }
0x29: {  	s22 =	sadd.s32 $0x3200, s2;
	[smem:$0x7D7] =	sst s20  }
0x2a: {  	s25 =	sadd.s32 $0x3800, s2;
	[smem:$0x7D9] =	sst s22  }
0x2b: {  	s26 =	sadd.s32 $0x3A00, s2;
	[smem:$0x7DC] =	sst s25  }
0x2c: {  	s21 =	sadd.s32 $0x3000, s2;
	[smem:$0x7DD] =	sst s26  }
0x2d: {  	s23 =	sadd.s32 $0x3400, s2;
	[smem:$0x7D8] =	sst s21  }
0x2e: {  	s24 =	sadd.s32 $0x3600, s2;
	[smem:$0x7DA] =	sst s23  }
0x2f: {  	s28 =	sadd.s32 $0x3C00, s2;
	[smem:$0x7DB] =	sst s24  }
0x30: {  	s29 =	sadd.s32 $0x3E00, s2;
	[smem:$0x7DE] =	sst s28  }
0x31: {  	s30 =	sadd.s32 $0x4200, s2;
	[smem:$0x7DF] =	sst s29  }
0x32: {  	s31 =	sadd.s32 $0x4400, s2;
	[smem:$0x7E0] =	sst s30  }
0x33: {  	s1 =	sadd.s32 $0x4600, s2;
	[smem:$0x7E1] =	sst s31  }
0x34: {  	s4 =	sadd.s32 $0x4800, s2;
	[smem:$0x7E2] =	sst s1  }
0x35: {  	s5 =	sadd.s32 $0x4A00, s2;
	[smem:$0x7E3] =	sst s4  }
0x36: {  	s6 =	sadd.s32 $0x4C00, s2;
	[smem:$0x7E4] =	sst s5  }
0x37: {  	s7 =	sadd.s32 $0x4E00, s2;
	[smem:$0x7E5] =	sst s6  }
0x38: {  	s8 =	sadd.s32 $0x5000, s2;
	[smem:$0x7E6] =	sst s7  }
0x39: {  	s9 =	sadd.s32 $0x5200, s2;
	[smem:$0x7E7] =	sst s8  }
0x3a: {  	s10 =	sadd.s32 $0x5400, s2;
	[smem:$0x7E8] =	sst s9  }
0x3b: {  	s11 =	sadd.s32 $0x5600, s2;
	[smem:$0x7E9] =	sst s10  }
0x3c: {  	s12 =	sadd.s32 $0x5800, s2;
	[smem:$0x7EA] =	sst s11  }
0x3d: {  	s13 =	sadd.s32 $0x5A00, s2;
	[smem:$0x7EB] =	sst s12  }
0x3e: {  	s14 =	sadd.s32 $0x5C00, s2;
	[smem:$0x7EC] =	sst s13  }
0x3f: {  	s15 =	sadd.s32 $0x5E00, s2;
	[smem:$0x7ED] =	sst s14  }
0x40: {  	s16 =	sadd.s32 $0x6200, s2;
	[smem:$0x7EE] =	sst s15  }
0x41: {  	s17 =	sadd.s32 $0x6400, s2;
	[smem:$0x7EF] =	sst s16  }
0x42: {  	s18 =	sadd.s32 $0x6600, s2;
	[smem:$0x7F0] =	sst s17  }
0x43: {  	s19 =	sadd.s32 $0x6800, s2;
	[smem:$0x7F1] =	sst s18  }
0x44: {  	s20 =	sadd.s32 $0x6A00, s2;
	[smem:$0x7F2] =	sst s19  }
0x45: {  	s22 =	sadd.s32 $0x6E00, s2;
	[smem:$0x7F3] =	sst s20  }
0x46: {  	s25 =	sadd.s32 $0x7400, s2;
	[smem:$0x7F5] =	sst s22  }
0x47: {  	s26 =	sadd.s32 $0x7600, s2;
	[smem:$0x7F8] =	sst s25  }
0x48: {  	s21 =	sadd.s32 $0x6C00, s2;
	[smem:$0x7F9] =	sst s26  }
0x49: {  	s23 =	sadd.s32 $0x7000, s2;
	[smem:$0x7F4] =	sst s21  }
0x4a: {  	s24 =	sadd.s32 $0x7200, s2;
	[smem:$0x7F6] =	sst s23  }
0x4b: {  	s28 =	sadd.s32 $0x7800, s2;
	[smem:$0x7F7] =	sst s24  }
0x4c: {  	s29 =	sadd.s32 $0x7A00, s2;
	[smem:$0x7FA] =	sst s28  }
0x4d: {  	s30 =	sadd.s32 $0x7C00, s2;
	[smem:$0x7FB] =	sst s29  }
0x4e: {  	v1 =	vlaneseq.u32;
	s31 =	sadd.s32 $0x7E00, s2;
	[smem:$0x7FC] =	sst s30  }
0x4f: {  	v0 =	vmul.u32 $0x1000, v1;
	v1 =	vmul.u32 $0x10, v1;
	s26 =	simm.s32 $0x14000;
	s2 =	simm.s32 $0x0;
	[smem:$0x7FD] =	sst s31  }
.LBB2_1:
0x50: {  	[smem:$0x7D5] =	sst s2  }
0x51: {  	s0 =	rddreg [dreg:$0x4];
	s1 =	simm.s32 $0x10  }
0x52: {  	s2 =	simm.s32 $0x40;
	s4 =	simm.s32 $0x10000;
	s6 =	rddreg [dreg:$0xd]  }
0x53: {  	[tilespmem:s4], [sflag:$0x1] =	stream.strided.gather [hbm4b:s0+s1], $0x100, s2, s1, $0x38;
	[tilespmem:$0x18000] =	vst v63  }
0x54: {  	s5 =	simm.s32 $0x10100;
	s4 =	rddreg [dreg:$0xc]  }
0x55: {  	[tilespmem:s5], [sflag:$0x1] =	stream.strided.gather [hbm4b:s4+s1], $0x100, s2, s1, $0x38;
	[tilespmem:$0x18000] =	vst v63  }
0x56: {  	s7 =	simm.s32 $0x10200;
	s8 =	rddreg [dreg:$0xe]  }
0x57: {  	[tilespmem:s7], [sflag:$0x1] =	stream.strided.gather [hbm4b:s6+s1], $0x100, s2, s1, $0x38;
	[tilespmem:$0x18000] =	vst v63  }
0x58: {  	s9 =	simm.s32 $0x10300;
	s10 =	rddreg [dreg:$0xf]  }
0x59: {  	[tilespmem:s9], [sflag:$0x1] =	stream.strided.gather [hbm4b:s8+s1], $0x100, s2, s1, $0x38;
	[tilespmem:$0x18000] =	vst v63  }
0x5a: {  	s11 =	simm.s32 $0x10400;
	s12 =	rddreg [dreg:$0x10]  }
0x5b: {  	[tilespmem:s11], [sflag:$0x1] =	stream.strided.gather [hbm4b:s10+s1], $0x100, s2, s1, $0x38;
	[tilespmem:$0x18000] =	vst v63  }
0x5c: {  	s13 =	simm.s32 $0x10500;
	s14 =	rddreg [dreg:$0x11]  }
0x5d: {  	[tilespmem:s13], [sflag:$0x1] =	stream.strided.gather [hbm4b:s12+s1], $0x100, s2, s1, $0x38;
	[tilespmem:$0x18000] =	vst v63  }
0x5e: {  	s15 =	simm.s32 $0x10600;
	s16 =	rddreg [dreg:$0x12]  }
0x5f: {  	[tilespmem:s15], [sflag:$0x1] =	stream.strided.gather [hbm4b:s14+s1], $0x100, s2, s1, $0x38;
	[tilespmem:$0x18000] =	vst v63  }
0x60: {  	s17 =	simm.s32 $0x10700;
	s18 =	rddreg [dreg:$0x13]  }
0x61: {  	[tilespmem:s17], [sflag:$0x1] =	stream.strided.gather [hbm4b:s16+s1], $0x100, s2, s1, $0x38;
	[tilespmem:$0x18000] =	vst v63  }
0x62: {  	s19 =	simm.s32 $0x10800;
	s20 =	rddreg [dreg:$0x14]  }
0x63: {  	[tilespmem:s19], [sflag:$0x1] =	stream.strided.gather [hbm4b:s18+s1], $0x100, s2, s1, $0x38;
	[tilespmem:$0x18000] =	vst v63  }
0x64: {  	s21 =	simm.s32 $0x10900;
	s22 =	rddreg [dreg:$0x15]  }
0x65: {  	[tilespmem:s21], [sflag:$0x1] =	stream.strided.gather [hbm4b:s20+s1], $0x100, s2, s1, $0x38;
	[tilespmem:$0x18000] =	vst v63  }
0x66: {  	s23 =	simm.s32 $0x10A00;
	s24 =	rddreg [dreg:$0x16]  }
0x67: {  	[tilespmem:s23], [sflag:$0x1] =	stream.strided.gather [hbm4b:s22+s1], $0x100, s2, s1, $0x38;
	[tilespmem:$0x18000] =	vst v63  }
0x68: {  	s25 =	simm.s32 $0x10B00;
	s28 =	rddreg [dreg:$0x17]  }
0x69: {  	[tilespmem:s25], [sflag:$0x1] =	stream.strided.gather [hbm4b:s24+s1], $0x100, s2, s1, $0x38;
	[tilespmem:$0x18000] =	vst v63  }
0x6a: {  	s29 =	simm.s32 $0x10C00;
	s30 =	rddreg [dreg:$0x18]  }
0x6b: {  	[tilespmem:s29], [sflag:$0x1] =	stream.strided.gather [hbm4b:s28+s1], $0x100, s2, s1, $0x38;
	[tilespmem:$0x18000] =	vst v63  }
0x6c: {  	s31 =	simm.s32 $0x10D00;
	s4 =	rddreg [dreg:$0x19]  }
0x6d: {  	[tilespmem:s31], [sflag:$0x1] =	stream.strided.gather [hbm4b:s30+s1], $0x100, s2, s1, $0x38;
	[tilespmem:$0x18000] =	vst v63  }
0x6e: {  	s5 =	simm.s32 $0x10E00;
	s6 =	rddreg [dreg:$0x1a]  }
0x6f: {  	[tilespmem:s5], [sflag:$0x1] =	stream.strided.gather [hbm4b:s4+s1], $0x100, s2, s1, $0x38;
	[tilespmem:$0x18000] =	vst v63  }
0x70: {  	s7 =	simm.s32 $0x10F00;
	s8 =	rddreg [dreg:$0x5]  }
0x71: {  	[tilespmem:s7], [sflag:$0x1] =	stream.strided.gather [hbm4b:s6+s1], $0x100, s2, s1, $0x38;
	[tilespmem:$0x18000] =	vst v63  }
0x72: {  	s9 =	simm.s32 $0x11000;
	s10 =	rddreg [dreg:$0x1b]  }
0x73: {  	[tilespmem:s9], [sflag:$0x2] =	stream.strided.gather [hbm4b:s8+s1], $0x100, s2, s1, $0x38;
	[tilespmem:$0x18000] =	vst v63  }
0x74: {  	s11 =	simm.s32 $0x11100;
	s12 =	rddreg [dreg:$0x1c]  }
0x75: {  	[tilespmem:s11], [sflag:$0x2] =	stream.strided.gather [hbm4b:s10+s1], $0x100, s2, s1, $0x38;
	[tilespmem:$0x18000] =	vst v63  }
0x76: {  	s13 =	simm.s32 $0x11200;
	s14 =	rddreg [dreg:$0x1d]  }
0x77: {  	[tilespmem:s13], [sflag:$0x2] =	stream.strided.gather [hbm4b:s12+s1], $0x100, s2, s1, $0x38;
	[tilespmem:$0x18000] =	vst v63  }
0x78: {  	s15 =	simm.s32 $0x11300;
	s16 =	rddreg [dreg:$0x1e]  }
0x79: {  	[tilespmem:s15], [sflag:$0x2] =	stream.strided.gather [hbm4b:s14+s1], $0x100, s2, s1, $0x38;
	[tilespmem:$0x18000] =	vst v63  }
0x7a: {  	s17 =	simm.s32 $0x11400;
	s18 =	rddreg [dreg:$0x1f]  }
0x7b: {  	[tilespmem:s17], [sflag:$0x2] =	stream.strided.gather [hbm4b:s16+s1], $0x100, s2, s1, $0x38;
	[tilespmem:$0x18000] =	vst v63  }
0x7c: {  	s19 =	simm.s32 $0x11500;
	s20 =	sld [smem:$0x7D6]  }
0x7d: {  	[tilespmem:s19], [sflag:$0x2] =	stream.strided.gather [hbm4b:s18+s1], $0x100, s2, s1, $0x38;
	[tilespmem:$0x18000] =	vst v63  }
0x7e: {  	s21 =	simm.s32 $0x11600;
	s22 =	sld [smem:$0x7D7]  }
0x7f: {  	[tilespmem:s21], [sflag:$0x2] =	stream.strided.gather [hbm4b:s20+s1], $0x100, s2, s1, $0x38;
	[tilespmem:$0x18000] =	vst v63  }
0x80: {  	s23 =	simm.s32 $0x11700;
	s24 =	sld [smem:$0x7D8]  }
0x81: {  	[tilespmem:s23], [sflag:$0x2] =	stream.strided.gather [hbm4b:s22+s1], $0x100, s2, s1, $0x38;
	[tilespmem:$0x18000] =	vst v63  }
0x82: {  	s25 =	simm.s32 $0x11800;
	s28 =	sld [smem:$0x7D9]  }
0x83: {  	[tilespmem:s25], [sflag:$0x2] =	stream.strided.gather [hbm4b:s24+s1], $0x100, s2, s1, $0x38;
	[tilespmem:$0x18000] =	vst v63  }
0x84: {  	s29 =	simm.s32 $0x11900;
	s30 =	sld [smem:$0x7DA]  }
0x85: {  	[tilespmem:s29], [sflag:$0x2] =	stream.strided.gather [hbm4b:s28+s1], $0x100, s2, s1, $0x38;
	[tilespmem:$0x18000] =	vst v63  }
0x86: {  	s31 =	simm.s32 $0x11A00;
	s4 =	sld [smem:$0x7DB]  }
0x87: {  	[tilespmem:s31], [sflag:$0x2] =	stream.strided.gather [hbm4b:s30+s1], $0x100, s2, s1, $0x38;
	[tilespmem:$0x18000] =	vst v63  }
0x88: {  	s5 =	simm.s32 $0x11B00;
	s6 =	sld [smem:$0x7DC]  }
0x89: {  	[tilespmem:s5], [sflag:$0x2] =	stream.strided.gather [hbm4b:s4+s1], $0x100, s2, s1, $0x38;
	[tilespmem:$0x18000] =	vst v63  }
0x8a: {  	s7 =	simm.s32 $0x11C00;
	s8 =	sld [smem:$0x7DD]  }
0x8b: {  	[tilespmem:s7], [sflag:$0x2] =	stream.strided.gather [hbm4b:s6+s1], $0x100, s2, s1, $0x38;
	[tilespmem:$0x18000] =	vst v63  }
0x8c: {  	s9 =	simm.s32 $0x11D00;
	s10 =	sld [smem:$0x7DE]  }
0x8d: {  	[tilespmem:s9], [sflag:$0x2] =	stream.strided.gather [hbm4b:s8+s1], $0x100, s2, s1, $0x38;
	[tilespmem:$0x18000] =	vst v63  }
0x8e: {  	s11 =	simm.s32 $0x11E00;
	s12 =	sld [smem:$0x7DF]  }
0x8f: {  	[tilespmem:s11], [sflag:$0x2] =	stream.strided.gather [hbm4b:s10+s1], $0x100, s2, s1, $0x38;
	[tilespmem:$0x18000] =	vst v63  }
0x90: {  	s13 =	simm.s32 $0x11F00;
	s14 =	rddreg [dreg:$0x6]  }
0x91: {  	[tilespmem:s13], [sflag:$0x2] =	stream.strided.gather [hbm4b:s12+s1], $0x100, s2, s1, $0x38;
	[tilespmem:$0x18000] =	vst v63  }
0x92: {  	s15 =	simm.s32 $0x12000;
	s16 =	sld [smem:$0x7E0]  }
0x93: {  	[tilespmem:s15], [sflag:$0x3] =	stream.strided.gather [hbm4b:s14+s1], $0x100, s2, s1, $0x38;
	[tilespmem:$0x18000] =	vst v63  }
0x94: {  	s17 =	simm.s32 $0x12100;
	s18 =	sld [smem:$0x7E1]  }
0x95: {  	[tilespmem:s17], [sflag:$0x3] =	stream.strided.gather [hbm4b:s16+s1], $0x100, s2, s1, $0x38;
	[tilespmem:$0x18000] =	vst v63  }
0x96: {  	s19 =	simm.s32 $0x12200;
	s20 =	sld [smem:$0x7E2]  }
0x97: {  	[tilespmem:s19], [sflag:$0x3] =	stream.strided.gather [hbm4b:s18+s1], $0x100, s2, s1, $0x38;
	[tilespmem:$0x18000] =	vst v63  }
0x98: {  	s21 =	simm.s32 $0x12300;
	s22 =	sld [smem:$0x7E3]  }
0x99: {  	[tilespmem:s21], [sflag:$0x3] =	stream.strided.gather [hbm4b:s20+s1], $0x100, s2, s1, $0x38;
	[tilespmem:$0x18000] =	vst v63  }
0x9a: {  	s23 =	simm.s32 $0x12400;
	s24 =	sld [smem:$0x7E4]  }
0x9b: {  	[tilespmem:s23], [sflag:$0x3] =	stream.strided.gather [hbm4b:s22+s1], $0x100, s2, s1, $0x38;
	[tilespmem:$0x18000] =	vst v63  }
0x9c: {  	s25 =	simm.s32 $0x12500;
	s28 =	sld [smem:$0x7E5]  }
0x9d: {  	[tilespmem:s25], [sflag:$0x3] =	stream.strided.gather [hbm4b:s24+s1], $0x100, s2, s1, $0x38;
	[tilespmem:$0x18000] =	vst v63  }
0x9e: {  	s29 =	simm.s32 $0x12600;
	s30 =	sld [smem:$0x7E6]  }
0x9f: {  	[tilespmem:s29], [sflag:$0x3] =	stream.strided.gather [hbm4b:s28+s1], $0x100, s2, s1, $0x38;
	[tilespmem:$0x18000] =	vst v63  }
0xa0: {  	s31 =	simm.s32 $0x12700;
	s4 =	sld [smem:$0x7E7]  }
0xa1: {  	[tilespmem:s31], [sflag:$0x3] =	stream.strided.gather [hbm4b:s30+s1], $0x100, s2, s1, $0x38;
	[tilespmem:$0x18000] =	vst v63  }
0xa2: {  	s5 =	simm.s32 $0x12800;
	s6 =	sld [smem:$0x7E8]  }
0xa3: {  	[tilespmem:s5], [sflag:$0x3] =	stream.strided.gather [hbm4b:s4+s1], $0x100, s2, s1, $0x38;
	[tilespmem:$0x18000] =	vst v63  }
0xa4: {  	s7 =	simm.s32 $0x12900;
	s8 =	sld [smem:$0x7E9]  }
0xa5: {  	[tilespmem:s7], [sflag:$0x3] =	stream.strided.gather [hbm4b:s6+s1], $0x100, s2, s1, $0x38;
	[tilespmem:$0x18000] =	vst v63  }
0xa6: {  	s9 =	simm.s32 $0x12A00;
	s10 =	sld [smem:$0x7EA]  }
0xa7: {  	[tilespmem:s9], [sflag:$0x3] =	stream.strided.gather [hbm4b:s8+s1], $0x100, s2, s1, $0x38;
	[tilespmem:$0x18000] =	vst v63  }
0xa8: {  	s11 =	simm.s32 $0x12B00;
	s12 =	sld [smem:$0x7EB]  }
0xa9: {  	[tilespmem:s11], [sflag:$0x3] =	stream.strided.gather [hbm4b:s10+s1], $0x100, s2, s1, $0x38;
	[tilespmem:$0x18000] =	vst v63  }
0xaa: {  	s13 =	simm.s32 $0x12C00;
	s14 =	sld [smem:$0x7EC]  }
0xab: {  	[tilespmem:s13], [sflag:$0x3] =	stream.strided.gather [hbm4b:s12+s1], $0x100, s2, s1, $0x38;
	[tilespmem:$0x18000] =	vst v63  }
0xac: {  	s15 =	simm.s32 $0x12D00;
	s16 =	sld [smem:$0x7ED]  }
0xad: {  	[tilespmem:s15], [sflag:$0x3] =	stream.strided.gather [hbm4b:s14+s1], $0x100, s2, s1, $0x38;
	[tilespmem:$0x18000] =	vst v63  }
0xae: {  	s17 =	simm.s32 $0x12E00;
	s18 =	sld [smem:$0x7EE]  }
0xaf: {  	[tilespmem:s17], [sflag:$0x3] =	stream.strided.gather [hbm4b:s16+s1], $0x100, s2, s1, $0x38;
	[tilespmem:$0x18000] =	vst v63  }
0xb0: {  	s19 =	simm.s32 $0x12F00;
	s20 =	rddreg [dreg:$0x7]  }
0xb1: {  	[tilespmem:s19], [sflag:$0x3] =	stream.strided.gather [hbm4b:s18+s1], $0x100, s2, s1, $0x38;
	[tilespmem:$0x18000] =	vst v63  }
0xb2: {  	s21 =	simm.s32 $0x13000;
	s22 =	sld [smem:$0x7EF]  }
0xb3: {  	[tilespmem:s21], [sflag:$0x4] =	stream.strided.gather [hbm4b:s20+s1], $0x100, s2, s1, $0x38;
	[tilespmem:$0x18000] =	vst v63  }
0xb4: {  	s23 =	simm.s32 $0x13100;
	s24 =	sld [smem:$0x7F0]  }
0xb5: {  	[tilespmem:s23], [sflag:$0x4] =	stream.strided.gather [hbm4b:s22+s1], $0x100, s2, s1, $0x38;
	[tilespmem:$0x18000] =	vst v63  }
0xb6: {  	s25 =	simm.s32 $0x13200;
	s28 =	sld [smem:$0x7F1]  }
0xb7: {  	[tilespmem:s25], [sflag:$0x4] =	stream.strided.gather [hbm4b:s24+s1], $0x100, s2, s1, $0x38;
	[tilespmem:$0x18000] =	vst v63  }
0xb8: {  	s29 =	simm.s32 $0x13300;
	s30 =	sld [smem:$0x7F2]  }
0xb9: {  	[tilespmem:s29], [sflag:$0x4] =	stream.strided.gather [hbm4b:s28+s1], $0x100, s2, s1, $0x38;
	[tilespmem:$0x18000] =	vst v63  }
0xba: {  	s31 =	simm.s32 $0x13400;
	s4 =	sld [smem:$0x7F3]  }
0xbb: {  	[tilespmem:s31], [sflag:$0x4] =	stream.strided.gather [hbm4b:s30+s1], $0x100, s2, s1, $0x38;
	[tilespmem:$0x18000] =	vst v63  }
0xbc: {  	s5 =	simm.s32 $0x13500;
	s6 =	sld [smem:$0x7F4]  }
0xbd: {  	[tilespmem:s5], [sflag:$0x4] =	stream.strided.gather [hbm4b:s4+s1], $0x100, s2, s1, $0x38;
	[tilespmem:$0x18000] =	vst v63  }
0xbe: {  	s7 =	simm.s32 $0x13600;
	s8 =	sld [smem:$0x7F5]  }
0xbf: {  	[tilespmem:s7], [sflag:$0x4] =	stream.strided.gather [hbm4b:s6+s1], $0x100, s2, s1, $0x38;
	[tilespmem:$0x18000] =	vst v63  }
0xc0: {  	s9 =	simm.s32 $0x13700;
	s10 =	sld [smem:$0x7F6]  }
0xc1: {  	[tilespmem:s9], [sflag:$0x4] =	stream.strided.gather [hbm4b:s8+s1], $0x100, s2, s1, $0x38;
	[tilespmem:$0x18000] =	vst v63  }
0xc2: {  	s11 =	simm.s32 $0x13800;
	s12 =	sld [smem:$0x7F7]  }
0xc3: {  	[tilespmem:s11], [sflag:$0x4] =	stream.strided.gather [hbm4b:s10+s1], $0x100, s2, s1, $0x38;
	[tilespmem:$0x18000] =	vst v63  }
0xc4: {  	s13 =	simm.s32 $0x13900;
	s14 =	sld [smem:$0x7F8]  }
0xc5: {  	[tilespmem:s13], [sflag:$0x4] =	stream.strided.gather [hbm4b:s12+s1], $0x100, s2, s1, $0x38;
	[tilespmem:$0x18000] =	vst v63  }
0xc6: {  	s15 =	simm.s32 $0x13A00;
	s16 =	sld [smem:$0x7F9]  }
0xc7: {  	[tilespmem:s15], [sflag:$0x4] =	stream.strided.gather [hbm4b:s14+s1], $0x100, s2, s1, $0x38;
	[tilespmem:$0x18000] =	vst v63  }
0xc8: {  	s17 =	simm.s32 $0x13B00;
	s18 =	sld [smem:$0x7FA]  }
0xc9: {  	[tilespmem:s17], [sflag:$0x4] =	stream.strided.gather [hbm4b:s16+s1], $0x100, s2, s1, $0x38;
	[tilespmem:$0x18000] =	vst v63  }
0xca: {  	s19 =	simm.s32 $0x13C00;
	s20 =	sld [smem:$0x7FB]  }
0xcb: {  	[tilespmem:s19], [sflag:$0x4] =	stream.strided.gather [hbm4b:s18+s1], $0x100, s2, s1, $0x38;
	[tilespmem:$0x18000] =	vst v63  }
0xcc: {  	s21 =	simm.s32 $0x13D00;
	s22 =	sld [smem:$0x7FC]  }
0xcd: {  	[tilespmem:s21], [sflag:$0x4] =	stream.strided.gather [hbm4b:s20+s1], $0x100, s2, s1, $0x38;
	[tilespmem:$0x18000] =	vst v63  }
0xce: {  	s23 =	simm.s32 $0x13E00;
	s24 =	sld [smem:$0x7FD]  }
0xcf: {  	[tilespmem:s23], [sflag:$0x4] =	stream.strided.gather [hbm4b:s22+s1], $0x100, s2, s1, $0x38;
	[tilespmem:$0x18000] =	vst v63  }
0xd0: {  	s25 =	simm.s32 $0x13F00;
	s28 =	rddreg [dreg:$0x8]  }
0xd1: {  	[tilespmem:s25], [sflag:$0x4] =	stream.strided.gather [hbm4b:s24+s1], $0x100, s2, s1, $0x38;
	[tilespmem:$0x18000] =	vst v63  }
0xd2: {  	s29 =	simm.s32 $0x1000;
	s30 =	simm.s32 $0x4000;
	s31 =	simm.s32 $0x9  }
0xd3: {  	[tilespmem:s3], [sflag:$0x9] =	stream.strided.gather [hbm4b:s28+s29], $0x10000, s30, s29, $0x38;
	[tilespmem:$0x18000] =	vst v63  }
0xd4: {  	_ =	swait.ge [sflag:s31], $0x10000  }
0xd5: {  	[sflag:s31] =	ssyncset.done $0x0  }
0xd6: {  	s1 =	simm.s32 $0x0;
	[sflag:s31] =	ssyncadd.s32 $0xFFFF0000  }
.LBB2_2:
0xd7: {  	s0 =	sand.u32 $0x3, s1  }
0xd8: {  	p0 =	slt.u32 s1, $0x4;
	s5 =	simm.s32 $0x0;
	s6 =	sadd.s32 $0x1, s0  }
0xd9: {  	s11 =	simm.s32 $0x0;
	s7 =	sshll.u32 s0, $0xC;
	_ =	swait.ge [sflag:s6], $0x1000  }
0xda: {  	s13 =	sadd.s32 @!p0 $0x5, s0;
	s17 =	sand.u32 $0x8, s5;
	[sflag:s6] =	ssyncset.done $0x0  }
0xdb: {  	s14 =	sand.u32 $0x3FFFFF00, s11;
	[smem:$0x7D4] =	sst s0;
	[sflag:s6] =	ssyncadd.s32 $0xFFFFF000  }
0xdc: {  	s8 =	sor.u32 $0x10000, s7;
	s12 =	sor.u32 $0x7, s17;
	_ =	swait.ge @!p0 [sflag:s13], $0x1000  }
0xdd: {  	s14 =	sadd.s32 s14, s8;
	s15 =	sshll.u32 s12, $0x4;
	[sflag:s13] =	ssyncset.done @!p0 $0x0  }
0xde: {  	s21 =	sadd.s32 s15, s14;
	[sflag:s13] =	ssyncadd.s32 @!p0 $0xFFFFF000  }
0xdf: {  	v3 =	vmov s17;
	s20 =	sor.u32 $0x1, s17;
	s18 =	sor.u32 $0x2, s17;
	v2 =	vld [tilespmem:s21+$0x0]  }
0xe0: {  	s5 =	sand.u32 $0xFFFFFF00, s11;
	s19 =	sor.u32 $0x3, s17;
	s25 =	sor.u32 $0x5, s17;
	v3 =	vshll.u32 v3, $0x8;
	v4 =	vmov s20;
	v5 =	vmov s18  }
0xe1: {  	s22 =	sshll.u32 s17, $0x4;
	s5 =	sadd.s32 s7, s5;
	v6 =	vmov s19;
	v9 =	vmov s12;
	v11 =	vmov s25  }
0xe2: {  	s23 =	sshll.u32 s20, $0x4;
	v18 =	vor.u32 s5, v1;
	v4 =	vshll.u32 v4, $0x8;
	v5 =	vshll.u32 v5, $0x8;
	s13 =	sadd.s32 s22, s14  }
0xe3: {  	s16 =	sshll.u32 s18, $0x4;
	s15 =	sadd.s32 s23, s14;
	v6 =	vshll.u32 v6, $0x8;
	v9 =	vshll.u32 v9, $0x8;
	v11 =	vshll.u32 v11, $0x8;
	v7 =	vld [tilespmem:s13+$0x0]  }
0xe4: {  	s24 =	sshll.u32 s19, $0x4;
	s16 =	sadd.s32 s16, s14;
	v22 =	vor.u32 s12, v18;
	v24 =	vor.u32 s17, v18;
	s22 =	sor.u32 $0x6, s17;
	v10 =	vld [tilespmem:s15+$0x0];
	v12 =	vand.u32 $0xFFFFFFF8, v2  }
0xe5: {  	v26 =	vor.u32 s20, v18;
	s21 =	sor.u32 $0x4, s17;
	s13 =	sadd.s32 s24, s14;
	v13 =	vld [tilespmem:s16+$0x0];
	s16 =	simm.s32 $0x8;
	v2 =	vand.u32 $0x7, v2;
	v9 =	vadd.s32 v9, v12  }
0xe6: {  	v14 =	vmov s22;
	v8 =	vmov s21;
	v12 =	vld [tilespmem:s13+$0x0];
	s13 =	sand.u32 $0x8, s16;
	v2 =	vor.u32 v2, v9  }
0xe7: {  	s28 =	sshll.u32 s21, $0x4;
	v14 =	vshll.u32 v14, $0x8;
	v8 =	vshll.u32 v8, $0x8;
	s17 =	sor.u32 $0x4, s13;
	v15 =	vadd.s32 v0, v2  }
0xe8: {  	s15 =	sadd.s32 s28, s14;
	s28 =	sor.u32 $0x7, s13;
	v2 =	vand.u32 $0xFFFFFFF8, v7;
	v7 =	vand.u32 $0x7, v7;
	v28 =	vmov s17  }
0xe9: {  	s29 =	sshll.u32 s25, $0x4;
	v9 =	vld [tilespmem:s15+$0x0];
	v31 =	vmov s28;
	v2 =	vadd.s32 v3, v2;
	v3 =	vand.u32 $0xFFFFFFF8, v10  }
0xea: {  	s30 =	sadd.s32 s29, s14;
	v10 =	vand.u32 $0x7, v10;
	v31 =	vshll.u32 v31, $0x8;
	v28 =	vshll.u32 v28, $0x8  }
0xeb: {  	s31 =	sshll.u32 s22, $0x4;
	v16 =	vld [tilespmem:s30+$0x0];
	v3 =	vadd.s32 v4, v3;
	v4 =	vand.u32 $0xFFFFFFF8, v13;
	v13 =	vand.u32 $0x7, v13  }
0xec: {  	s0 =	sadd.s32 s31, s14;
	v2 =	vor.u32 v7, v2;
	v7 =	vor.u32 s18, v18;
	v4 =	vadd.s32 v5, v4  }
0xed: {  	v17 =	vld [tilespmem:s0+$0x0];
	v5 =	vand.u32 $0xFFFFFFF8, v12;
	v12 =	vand.u32 $0x7, v12;
	v3 =	vor.u32 v10, v3  }
0xee: {  	s12 =	sor.u32 $0x1, s13;
	v19 =	vand.u32 $0xFFFFFFF8, v9;
	v5 =	vadd.s32 v6, v5;
	v9 =	vand.u32 $0x7, v9  }
0xef: {  	s2 =	simm.s32 $0x80;
	v4 =	vor.u32 v13, v4;
	v13 =	vadd.s32 v0, v2;
	v2 =	vmov s12  }
0xf0: {  	s4 =	sand.u32 $0x3FFFFF00, s2;
	v6 =	vadd.s32 v8, v19;
	v8 =	vand.u32 $0xFFFFFFF8, v16;
	v16 =	vand.u32 $0x7, v16  }
0xf1: {  	s29 =	sadd.s32 s4, s8;
	s31 =	sshll.u32 s13, $0x4;
	v10 =	vor.u32 v12, v5;
	v5 =	vmov s13;
	v21 =	vadd.s32 v0, v4  }
0xf2: {  	s30 =	sshll.u32 s28, $0x4;
	s10 =	sadd.s32 s31, s29;
	v4 =	vor.u32 s21, v18;
	v8 =	vadd.s32 v11, v8;
	v11 =	vand.u32 $0xFFFFFFF8, v17  }
0xf3: {  	s14 =	sor.u32 $0x2, s13;
	s9 =	sshll.u32 s12, $0x4;
	s30 =	sadd.s32 s30, s29;
	v20 =	vld [tilespmem:s10+$0x0];
	v17 =	vand.u32 $0x7, v17;
	v9 =	vor.u32 v9, v6;
	v6 =	vor.u32 s19, v18  }
0xf4: {  	s15 =	sor.u32 $0x3, s13;
	s11 =	sshll.u32 s14, $0x4;
	s20 =	sadd.s32 s9, s29;
	v19 =	vld [tilespmem:s30+$0x0];
	v36 =	vadd.s32 v0, v10;
	v11 =	vadd.s32 v14, v11;
	v12 =	vor.u32 v16, v8  }
0xf5: {  	s23 =	sshll.u32 s17, $0x4;
	s18 =	sor.u32 $0x5, s13;
	v23 =	vld [tilespmem:s20+$0x0];
	s19 =	sadd.s32 s11, s29;
	v14 =	vshll.u32 v5, $0x8;
	v16 =	vadd.s32 v0, v3;
	v5 =	vor.u32 s25, v18  }
0xf6: {  	s21 =	sshll.u32 s15, $0x4;
	s30 =	sadd.s32 s23, s29;
	v27 =	vld [tilespmem:s19+$0x0];
	v3 =	vor.u32 s22, v18;
	s19 =	sor.u32 $0x6, s13;
	v18 =	vmov s18;
	v11 =	vor.u32 v17, v11  }
0xf7: {  	s24 =	sadd.s32 s21, s29;
	v32 =	vld [tilespmem:s30+$0x0];
	v17 =	vshll.u32 v2, $0x8;
	v2 =	vmov s14;
	v35 =	vmov s19  }
0xf8: {  	s5 =	sand.u32 $0xFFFFFF00, s2;
	v30 =	vld [tilespmem:s24+$0x0];
	s31 =	sshll.u32 s19, $0x4;
	v37 =	vshll.u32 v18, $0x8;
	v25 =	vshll.u32 v2, $0x8;
	v2 =	vmov s15  }
0xf9: {  	s5 =	sadd.s32 s7, s5;
	s25 =	sshll.u32 s18, $0x4;
	v12 =	vadd.s32 v0, v12;
	s20 =	sadd.s32 s31, s29;
	v39 =	vld.idx.msk [tilespmem:v13+s3+$0x0], $0xffff;
	v29 =	vshll.u32 v2, $0x8;
	v33 =	vand.u32 $0xFFFFFFF8, v19  }
0xfa: {  	v2 =	vor.u32 s5, v1;
	s5 =	sadd.s32 s25, s29;
	v19 =	vand.u32 $0x7, v19;
	v63 =	vld [tilespmem:s20+$0x0];
	v31 =	vadd.s32 v31, v33  }
0xfb: {  	v35 =	vshll.u32 v35, $0x8;
	v13 =	vadd.s32 v0, v9;
	v34 =	vld [tilespmem:s5+$0x0];
	v10 =	vor.u32 v19, v31  }
0xfc: {  	v9 =	vand.u32 $0xFFFFFFF8, v20;
	v11 =	vadd.s32 v0, v11;
	v31 =	vld.idx.msk [tilespmem:v15+s3+$0x0], $0xffff;
	v38 =	vadd.s32 v0, v10  }
0xfd: {  	v8 =	vor.u32 s28, v2;
	v40 =	vld.idx.msk [tilespmem:v16+s3+$0x0], $0xffff;
	v15 =	vadd.s32 v14, v9;
	v9 =	vand.u32 $0xFFFFFFF8, v23  }
0xfe: {  	v14 =	vand.u32 $0x7, v20;
	v16 =	vand.u32 $0x7, v23;
	v19 =	vand.u32 $0x7, v27;
	v10 =	vld.idx.msk [tilespmem:v21+s3+$0x0], $0xffff  }
0xff: {  	v23 =	vand.u32 $0xFFFFFFF8, v32;
	v18 =	vadd.s32 v17, v9;
	v9 =	vand.u32 $0xFFFFFFF8, v27;
	v12 =	vld.idx.msk [tilespmem:v12+s3+$0x0], $0xffff  }
0x100: {  	v17 =	vand.u32 $0xFFFFFFF8, v30;
	v23 =	vadd.s32 v28, v23;
	v20 =	vadd.s32 v25, v9;
	v9 =	vld.idx.msk [tilespmem:v36+s3+$0x0], $0xffff  }
0x101: {  	v21 =	vadd.s32 v29, v17;
	[tilespmem:v24+s26+$0x0] =	vst.idx.msk $0xffff, v39;
	v24 =	vand.u32 $0x7, v32;
	v27 =	vand.u32 $0xFFFFFFF8, v63;
	v17 =	vld.idx.msk [tilespmem:v38+s3+$0x0], $0xffff  }
0x102: {  	v13 =	vld.idx.msk [tilespmem:v13+s3+$0x0], $0xffff;
	v25 =	vand.u32 $0xFFFFFFF8, v34;
	v28 =	vand.u32 $0x7, v34;
	v27 =	vadd.s32 v35, v27;
	[tilespmem:v22+s26+$0x0] =	vst.idx.msk $0xffff, v31  }
0x103: {  	v11 =	vld.idx.msk [tilespmem:v11+s3+$0x0], $0xffff;
	v22 =	vand.u32 $0x7, v30;
	v25 =	vadd.s32 v37, v25;
	[tilespmem:v26+s26+$0x0] =	vst.idx.msk $0xffff, v40;
	v26 =	vand.u32 $0x7, v63  }
.LBB2_3:
0x104: {  	s16 =	sadd.s32 $0x8, s16;
	v14 =	vor.u32 v14, v15;
	v15 =	vor.u32 v16, v18;
	v16 =	vor.u32 v19, v20  }
0x105: {  	v18 =	vor.u32 v22, v21;
	v19 =	vor.u32 v24, v23;
	v20 =	vor.u32 v28, v25;
	s22 =	sand.u32 $0x8, s16;
	s21 =	sshll.u32 s16, $0x4;
	p0 =	slt.u32 s16, $0xF8  }
0x106: {  	v22 =	vor.u32 v26, v27;
	v14 =	vadd.s32 v0, v14;
	s5 =	sand.u32 $0x3FFFFF00, s21;
	v21 =	vmov s22;
	s25 =	sor.u32 $0x1, s22;
	s20 =	sor.u32 $0x7, s22;
	[tilespmem:v8+s26+$0x0] =	vst.idx.msk $0xffff, v17  }
0x107: {  	v15 =	vadd.s32 v0, v15;
	s28 =	sor.u32 $0x2, s22;
	s0 =	sadd.s32 s5, s8;
	v8 =	vshll.u32 v21, $0x8;
	v17 =	vmov s25;
	s5 =	sshll.u32 s20, $0x4;
	[tilespmem:v7+s26+$0x0] =	vst.idx.msk $0xffff, v10  }
0x108: {  	s29 =	sor.u32 $0x3, s22;
	s30 =	sor.u32 $0x4, s22;
	v7 =	vmov s28;
	v10 =	vshll.u32 v17, $0x8;
	s2 =	sadd.s32 s5, s0;
	v17 =	vadd.s32 v0, v16;
	[tilespmem:v6+s26+$0x0] =	vst.idx.msk $0xffff, v9  }
0x109: {  	s31 =	sor.u32 $0x5, s22;
	s4 =	sshll.u32 s25, $0x4;
	v9 =	vshll.u32 v7, $0x8;
	v6 =	vmov s29;
	v7 =	vmov s30;
	s5 =	sor.u32 $0x6, s22;
	v16 =	vld [tilespmem:s2+$0x0];
	[tilespmem:v4+s26+$0x0] =	vst.idx.msk $0xffff, v13  }
0x10a: {  	s10 =	sshll.u32 s29, $0x4;
	s11 =	sshll.u32 s30, $0x4;
	s2 =	sshll.u32 s28, $0x4;
	v13 =	vshll.u32 v6, $0x8;
	v4 =	vmov s31;
	v6 =	vmov s5;
	[tilespmem:v5+s26+$0x0] =	vst.idx.msk $0xffff, v12  }
0x10b: {  	s9 =	sshll.u32 s22, $0x4;
	s23 =	sshll.u32 s31, $0x4;
	s24 =	sshll.u32 s5, $0x4;
	v12 =	vshll.u32 v7, $0x8;
	v25 =	vshll.u32 v4, $0x8;
	v27 =	vshll.u32 v6, $0x8;
	v21 =	vld.idx.msk [tilespmem:v14+s3+$0x0], $0xffff;
	[tilespmem:v3+s26+$0x0] =	vst.idx.msk $0xffff, v11  }
0x10c: {  	v23 =	vadd.s32 v0, v18;
	v24 =	vadd.s32 v0, v19;
	v26 =	vadd.s32 v0, v20;
	s9 =	sadd.s32 s9, s0;
	s4 =	sadd.s32 s4, s0;
	s2 =	sadd.s32 s2, s0;
	v11 =	vld.idx.msk [tilespmem:v15+s3+$0x0], $0xffff  }
0x10d: {  	v29 =	vadd.s32 v0, v22;
	v3 =	vmov s20;
	v15 =	vor.u32 s13, v2;
	v14 =	vld [tilespmem:s9+$0x0];
	s9 =	sadd.s32 s10, s0;
	s10 =	sadd.s32 s11, s0;
	s11 =	sadd.s32 s23, s0  }
0x10e: {  	v19 =	vor.u32 s12, v2;
	s12 =	smov.u32 s25;
	v3 =	vshll.u32 v3, $0x8;
	s13 =	smov.u32 s22;
	s0 =	sadd.s32 s24, s0;
	v18 =	vld [tilespmem:s4+$0x0];
	v4 =	vand.u32 $0xFFFFFFF8, v16  }
0x10f: {  	v7 =	vor.u32 s14, v2;
	s14 =	smov.u32 s28;
	v5 =	vand.u32 $0x7, v16;
	v20 =	vld [tilespmem:s2+$0x0];
	v3 =	vadd.s32 v3, v4  }
0x110: {  	v6 =	vor.u32 s15, v2;
	s15 =	smov.u32 s29;
	v4 =	vor.u32 s17, v2;
	s17 =	smov.u32 s30;
	v22 =	vld [tilespmem:s9+$0x0];
	v3 =	vor.u32 v5, v3  }
0x111: {  	v5 =	vor.u32 s18, v2;
	s18 =	smov.u32 s31;
	v28 =	vld [tilespmem:s10+$0x0];
	v30 =	vadd.s32 v0, v3;
	v3 =	vor.u32 s19, v2;
	s19 =	smov.u32 s5  }
0x112: {  	v2 =	vand.u32 $0xFFFFFFF8, v14;
	v14 =	vand.u32 $0x7, v14;
	v31 =	vld [tilespmem:s11+$0x0];
	[tilespmem:v15+s26+$0x0] =	vst.idx.msk $0xffff, v21  }
0x113: {  	v15 =	vadd.s32 v8, v2;
	v2 =	vand.u32 $0xFFFFFFF8, v18;
	v16 =	vand.u32 $0x7, v18;
	v32 =	vld [tilespmem:s0+$0x0];
	[tilespmem:v19+s26+$0x0] =	vst.idx.msk $0xffff, v11  }
0x114: {  	s0 =	sand.u32 $0xFFFFFF00, s21;
	v18 =	vadd.s32 v10, v2;
	v2 =	vand.u32 $0xFFFFFFF8, v20;
	v19 =	vand.u32 $0x7, v20;
	v10 =	vld.idx.msk [tilespmem:v17+s3+$0x0], $0xffff  }
.Ltmp0:
0x115: {  	s0 =	sadd.s32 s7, s0;
	v20 =	vadd.s32 v9, v2;
	v8 =	vand.u32 $0xFFFFFFF8, v22;
	v22 =	vand.u32 $0x7, v22;
	v9 =	vld.idx.msk [tilespmem:v23+s3+$0x0], $0xffff;
	(pc) =	sbr.rel @p0 .LBB2_3-.Ltmp0, $4  }
0x116: {  	v2 =	vor.u32 s0, v1;
	v21 =	vadd.s32 v13, v8;
	v8 =	vand.u32 $0xFFFFFFF8, v28;
	v17 =	vld.idx.msk [tilespmem:v30+s3+$0x0], $0xffff  }
0x117: {  	v23 =	vadd.s32 v12, v8;
	v11 =	vand.u32 $0xFFFFFFF8, v31;
	v8 =	vor.u32 s20, v2;
	v13 =	vld.idx.msk [tilespmem:v24+s3+$0x0], $0xffff  }
0x118: {  	v24 =	vand.u32 $0x7, v28;
	v25 =	vadd.s32 v25, v11;
	v11 =	vand.u32 $0xFFFFFFF8, v32;
	v12 =	vld.idx.msk [tilespmem:v26+s3+$0x0], $0xffff  }
0x119: {  	v28 =	vand.u32 $0x7, v31;
	v26 =	vand.u32 $0x7, v32;
	v27 =	vadd.s32 v27, v11;
	v11 =	vld.idx.msk [tilespmem:v29+s3+$0x0], $0xffff  }
0x11a: {  	v14 =	vor.u32 v14, v15  }
0x11b: {  	v44 =	vor.u32 v16, v18;
	v14 =	vadd.s32 v0, v14  }
0x11c: {  	v45 =	vor.u32 v19, v20;
	v15 =	vadd.s32 v0, v44  }
0x11d: {  	v46 =	vor.u32 v22, v21;
	v16 =	vadd.s32 v0, v45  }
0x11e: {  	v47 =	vor.u32 v24, v23;
	v48 =	vor.u32 v28, v25;
	v18 =	vadd.s32 v0, v46  }
0x11f: {  	v49 =	vor.u32 v26, v27;
	[tilespmem:v7+s26+$0x0] =	vst.idx.msk $0xffff, v10;
	v50 =	vadd.s32 v0, v47  }
0x120: {  	v53 =	vor.u32 s13, v2;
	[tilespmem:v6+s26+$0x0] =	vst.idx.msk $0xffff, v9;
	v52 =	vadd.s32 v0, v48;
	v51 =	vld.idx.msk [tilespmem:v14+s3+$0x0], $0xffff  }
0x121: {  	v56 =	vor.u32 s12, v2;
	[tilespmem:v8+s26+$0x0] =	vst.idx.msk $0xffff, v17;
	v55 =	vadd.s32 v0, v49;
	v54 =	vld.idx.msk [tilespmem:v15+s3+$0x0], $0xffff  }
0x122: {  	v57 =	vor.u32 s14, v2;
	[tilespmem:v4+s26+$0x0] =	vst.idx.msk $0xffff, v13;
	v58 =	vld.idx.msk [tilespmem:v16+s3+$0x0], $0xffff  }
0x123: {  	v59 =	vor.u32 s15, v2;
	[tilespmem:v5+s26+$0x0] =	vst.idx.msk $0xffff, v12;
	v60 =	vld.idx.msk [tilespmem:v18+s3+$0x0], $0xffff  }
0x124: {  	[tilespmem:v3+s26+$0x0] =	vst.idx.msk $0xffff, v11;
	v3 =	vor.u32 s17, v2;
	v8 =	vld.idx.msk [tilespmem:v50+s3+$0x0], $0xffff  }
0x125: {  	v61 =	vor.u32 s18, v2;
	v62 =	vld.idx.msk [tilespmem:v52+s3+$0x0], $0xffff;
	[tilespmem:v53+s26+$0x0] =	vst.idx.msk $0xffff, v51  }
0x126: {  	v2 =	vor.u32 s19, v2;
	v63 =	vld.idx.msk [tilespmem:v55+s3+$0x0], $0xffff;
	[tilespmem:v56+s26+$0x0] =	vst.idx.msk $0xffff, v54  }
0x127: {  	[tilespmem:v57+s26+$0x0] =	vst.idx.msk $0xffff, v58  }
0x128: {  	[tilespmem:v59+s26+$0x0] =	vst.idx.msk $0xffff, v60  }
0x129: {  	[tilespmem:v3+s26+$0x0] =	vst.idx.msk $0xffff, v8  }
0x12a: {  	s2 =	rddreg [dreg:$0x9];
	[tilespmem:v61+s26+$0x0] =	vst.idx.msk $0xffff, v62  }
0x12b: {  	[tilespmem:v2+s26+$0x0] =	vst.idx.msk $0xffff, v63  }
0x12c: {  	s0 =	sshll.u32 s1, $0x10;
	s4 =	sld [smem:$0x7D4]  }
0x12d: {  	s20 =	sor.u32 $0x14000, s7;
	s2 =	sadd.s32 s2, s0  }
0x12e: {  	s10 =	simm.s32 $0x10;
	s5 =	rddreg [dreg:$0x3];
	s2 =	sshrl.u32 s2, $0x3  }
0x12f: {  	s11 =	simm.s32 $0x40;
	s2 =	sadd.s32 s5, s2;
	s4 =	sadd.s32 $0x5, s4  }
0x130: {  	[hbm4b:s2+s10] =	stream.strided.scatter [tilespmem:s20], [sflag:s4], $0x100, s11, s10, $0x38;
	[tilespmem:$0x18000] =	vst v63  }
0x131: {  	s21 =	sadd.s32 $0x14100, s7;
	s9 =	sadd.s32 $0x200, s2  }
0x132: {  	[hbm4b:s9+s10] =	stream.strided.scatter [tilespmem:s21], [sflag:s4], $0x100, s11, s10, $0x38;
	[tilespmem:$0x18000] =	vst v63  }
0x133: {  	s22 =	sadd.s32 $0x14200, s7;
	s23 =	sadd.s32 $0x400, s2  }
0x134: {  	[hbm4b:s23+s10] =	stream.strided.scatter [tilespmem:s22], [sflag:s4], $0x100, s11, s10, $0x38;
	[tilespmem:$0x18000] =	vst v63  }
0x135: {  	s24 =	sadd.s32 $0x14300, s7;
	s25 =	sadd.s32 $0x600, s2  }
0x136: {  	[hbm4b:s25+s10] =	stream.strided.scatter [tilespmem:s24], [sflag:s4], $0x100, s11, s10, $0x38;
	[tilespmem:$0x18000] =	vst v63  }
0x137: {  	s28 =	sadd.s32 $0x14400, s7;
	s29 =	sadd.s32 $0x800, s2  }
0x138: {  	[hbm4b:s29+s10] =	stream.strided.scatter [tilespmem:s28], [sflag:s4], $0x100, s11, s10, $0x38;
	[tilespmem:$0x18000] =	vst v63  }
0x139: {  	s30 =	sadd.s32 $0x14500, s7;
	s31 =	sadd.s32 $0xA00, s2  }
0x13a: {  	[hbm4b:s31+s10] =	stream.strided.scatter [tilespmem:s30], [sflag:s4], $0x100, s11, s10, $0x38;
	[tilespmem:$0x18000] =	vst v63  }
0x13b: {  	s12 =	sadd.s32 $0xC00, s2;
	s9 =	sadd.s32 $0x14600, s7  }
0x13c: {  	[hbm4b:s12+s10] =	stream.strided.scatter [tilespmem:s9], [sflag:s4], $0x100, s11, s10, $0x38;
	[tilespmem:$0x18000] =	vst v63  }
0x13d: {  	s13 =	sadd.s32 $0x14700, s7;
	s14 =	sadd.s32 $0xE00, s2  }
0x13e: {  	[hbm4b:s14+s10] =	stream.strided.scatter [tilespmem:s13], [sflag:s4], $0x100, s11, s10, $0x38;
	[tilespmem:$0x18000] =	vst v63  }
0x13f: {  	s15 =	sadd.s32 $0x14800, s7;
	s16 =	sadd.s32 $0x1000, s2  }
0x140: {  	[hbm4b:s16+s10] =	stream.strided.scatter [tilespmem:s15], [sflag:s4], $0x100, s11, s10, $0x38;
	[tilespmem:$0x18000] =	vst v63  }
0x141: {  	s17 =	sadd.s32 $0x14900, s7;
	s18 =	sadd.s32 $0x1200, s2  }
0x142: {  	[hbm4b:s18+s10] =	stream.strided.scatter [tilespmem:s17], [sflag:s4], $0x100, s11, s10, $0x38;
	[tilespmem:$0x18000] =	vst v63  }
0x143: {  	s19 =	sadd.s32 $0x14A00, s7;
	s20 =	sadd.s32 $0x1400, s2  }
0x144: {  	[hbm4b:s20+s10] =	stream.strided.scatter [tilespmem:s19], [sflag:s4], $0x100, s11, s10, $0x38;
	[tilespmem:$0x18000] =	vst v63  }
0x145: {  	s21 =	sadd.s32 $0x14B00, s7;
	s22 =	sadd.s32 $0x1600, s2  }
0x146: {  	[hbm4b:s22+s10] =	stream.strided.scatter [tilespmem:s21], [sflag:s4], $0x100, s11, s10, $0x38;
	[tilespmem:$0x18000] =	vst v63  }
0x147: {  	s23 =	sadd.s32 $0x14C00, s7;
	s24 =	sadd.s32 $0x1800, s2  }
0x148: {  	[hbm4b:s24+s10] =	stream.strided.scatter [tilespmem:s23], [sflag:s4], $0x100, s11, s10, $0x38;
	[tilespmem:$0x18000] =	vst v63  }
0x149: {  	s25 =	sadd.s32 $0x14D00, s7;
	s28 =	sadd.s32 $0x1A00, s2  }
0x14a: {  	[hbm4b:s28+s10] =	stream.strided.scatter [tilespmem:s25], [sflag:s4], $0x100, s11, s10, $0x38;
	[tilespmem:$0x18000] =	vst v63  }
0x14b: {  	s29 =	sadd.s32 $0x14E00, s7;
	s30 =	sadd.s32 $0x1C00, s2  }
0x14c: {  	[hbm4b:s30+s10] =	stream.strided.scatter [tilespmem:s29], [sflag:s4], $0x100, s11, s10, $0x38;
	[tilespmem:$0x18000] =	vst v63  }
0x14d: {  	s31 =	sadd.s32 $0x14F00, s7;
	s2 =	sadd.s32 $0x1E00, s2  }
0x14e: {  	[hbm4b:s2+s10] =	stream.strided.scatter [tilespmem:s31], [sflag:s4], $0x100, s11, s10, $0x38;
	[tilespmem:$0x18000] =	vst v63  }
0x14f: {  	p0 =	sgt.u32 s1, $0x7B;
	s2 =	rddreg [dreg:$0xa]  }
0x150: {  	s0 =	sadd.s32 @!p0 s0, s2  }
0x151: {  	s2 =	rddreg [dreg:$0x0];
	s0 =	sshrl.u32 @!p0 s0, $0x3  }
0x152: {  	s4 =	simm.s32 @!p0 $0x40;
	s0 =	sadd.s32 @!p0 s2, s0;
	s2 =	simm.s32 @!p0 $0x10  }
0x153: {  	[tilespmem:s8], [sflag:s6] =	stream.strided.gather @!p0 [hbm4b:s0+s2], $0x100, s4, s2, $0x38;
	[tilespmem:$0x18000] =	vst v63  }
0x154: {  	s5 =	sadd.s32 @!p0 $0x200, s0;
	s8 =	sadd.s32 @!p0 $0x10100, s7  }
0x155: {  	[tilespmem:s8], [sflag:s6] =	stream.strided.gather @!p0 [hbm4b:s5+s2], $0x100, s4, s2, $0x38;
	[tilespmem:$0x18000] =	vst v63  }
0x156: {  	s5 =	sadd.s32 @!p0 $0x400, s0;
	s8 =	sadd.s32 @!p0 $0x10200, s7  }
0x157: {  	[tilespmem:s8], [sflag:s6] =	stream.strided.gather @!p0 [hbm4b:s5+s2], $0x100, s4, s2, $0x38;
	[tilespmem:$0x18000] =	vst v63  }
0x158: {  	s5 =	sadd.s32 @!p0 $0x600, s0;
	s8 =	sadd.s32 @!p0 $0x10300, s7  }
0x159: {  	[tilespmem:s8], [sflag:s6] =	stream.strided.gather @!p0 [hbm4b:s5+s2], $0x100, s4, s2, $0x38;
	[tilespmem:$0x18000] =	vst v63  }
0x15a: {  	s5 =	sadd.s32 @!p0 $0x800, s0;
	s8 =	sadd.s32 @!p0 $0x10400, s7  }
0x15b: {  	[tilespmem:s8], [sflag:s6] =	stream.strided.gather @!p0 [hbm4b:s5+s2], $0x100, s4, s2, $0x38;
	[tilespmem:$0x18000] =	vst v63  }
0x15c: {  	s5 =	sadd.s32 @!p0 $0xA00, s0;
	s8 =	sadd.s32 @!p0 $0x10500, s7  }
0x15d: {  	[tilespmem:s8], [sflag:s6] =	stream.strided.gather @!p0 [hbm4b:s5+s2], $0x100, s4, s2, $0x38;
	[tilespmem:$0x18000] =	vst v63  }
0x15e: {  	s5 =	sadd.s32 @!p0 $0xC00, s0;
	s8 =	sadd.s32 @!p0 $0x10600, s7  }
0x15f: {  	[tilespmem:s8], [sflag:s6] =	stream.strided.gather @!p0 [hbm4b:s5+s2], $0x100, s4, s2, $0x38;
	[tilespmem:$0x18000] =	vst v63  }
0x160: {  	s5 =	sadd.s32 @!p0 $0xE00, s0;
	s8 =	sadd.s32 @!p0 $0x10700, s7  }
0x161: {  	[tilespmem:s8], [sflag:s6] =	stream.strided.gather @!p0 [hbm4b:s5+s2], $0x100, s4, s2, $0x38;
	[tilespmem:$0x18000] =	vst v63  }
0x162: {  	s5 =	sadd.s32 @!p0 $0x1000, s0;
	s8 =	sadd.s32 @!p0 $0x10800, s7  }
0x163: {  	[tilespmem:s8], [sflag:s6] =	stream.strided.gather @!p0 [hbm4b:s5+s2], $0x100, s4, s2, $0x38;
	[tilespmem:$0x18000] =	vst v63  }
0x164: {  	s5 =	sadd.s32 @!p0 $0x1200, s0;
	s8 =	sadd.s32 @!p0 $0x10900, s7  }
0x165: {  	[tilespmem:s8], [sflag:s6] =	stream.strided.gather @!p0 [hbm4b:s5+s2], $0x100, s4, s2, $0x38;
	[tilespmem:$0x18000] =	vst v63  }
0x166: {  	s5 =	sadd.s32 @!p0 $0x1400, s0;
	s8 =	sadd.s32 @!p0 $0x10A00, s7  }
0x167: {  	[tilespmem:s8], [sflag:s6] =	stream.strided.gather @!p0 [hbm4b:s5+s2], $0x100, s4, s2, $0x38;
	[tilespmem:$0x18000] =	vst v63  }
0x168: {  	s5 =	sadd.s32 @!p0 $0x1600, s0;
	s8 =	sadd.s32 @!p0 $0x10B00, s7  }
0x169: {  	[tilespmem:s8], [sflag:s6] =	stream.strided.gather @!p0 [hbm4b:s5+s2], $0x100, s4, s2, $0x38;
	[tilespmem:$0x18000] =	vst v63  }
0x16a: {  	s5 =	sadd.s32 @!p0 $0x1800, s0;
	s8 =	sadd.s32 @!p0 $0x10C00, s7  }
0x16b: {  	[tilespmem:s8], [sflag:s6] =	stream.strided.gather @!p0 [hbm4b:s5+s2], $0x100, s4, s2, $0x38;
	[tilespmem:$0x18000] =	vst v63  }
0x16c: {  	s5 =	sadd.s32 @!p0 $0x1A00, s0;
	s8 =	sadd.s32 @!p0 $0x10D00, s7  }
0x16d: {  	[tilespmem:s8], [sflag:s6] =	stream.strided.gather @!p0 [hbm4b:s5+s2], $0x100, s4, s2, $0x38;
	[tilespmem:$0x18000] =	vst v63  }
0x16e: {  	s5 =	sadd.s32 @!p0 $0x1C00, s0;
	s8 =	sadd.s32 @!p0 $0x10E00, s7  }
0x16f: {  	[tilespmem:s8], [sflag:s6] =	stream.strided.gather @!p0 [hbm4b:s5+s2], $0x100, s4, s2, $0x38;
	[tilespmem:$0x18000] =	vst v63  }
0x170: {  	s1 =	sadd.s32 $0x1, s1;
	s0 =	sadd.s32 @!p0 $0x1E00, s0;
	s5 =	sadd.s32 @!p0 $0x10F00, s7  }
0x171: {  	[tilespmem:s5], [sflag:s6] =	stream.strided.gather @!p0 [hbm4b:s0+s2], $0x100, s4, s2, $0x38;
	[tilespmem:$0x18000] =	vst v63  }
0x172: {  	p0 =	sne.s32 s1, $0x80  }
.Ltmp1:
0x173: {  	_ = 	snop;
	(pc) =	sbr.rel @p0 .LBB2_2-.Ltmp1, $1  }
0x174: {  	_ =	sdelay $0x3  }
0x175: {  	s0 =	simm.s32 $0x5  }
0x176: {  	_ =	swait.ge [sflag:s0], $0x1000  }
0x177: {  	[sflag:s0] =	ssyncset.done $0x0  }
0x178: {  	s29 =	simm.s32 $0x6;
	[sflag:s0] =	ssyncadd.s32 $0xFFFFF000  }
0x179: {  	_ =	swait.ge [sflag:s29], $0x1000  }
0x17a: {  	[sflag:s29] =	ssyncset.done $0x0  }
0x17b: {  	s30 =	simm.s32 $0x7;
	[sflag:s29] =	ssyncadd.s32 $0xFFFFF000  }
0x17c: {  	_ =	swait.ge [sflag:s30], $0x1000  }
0x17d: {  	[sflag:s30] =	ssyncset.done $0x0  }
0x17e: {  	s1 =	simm.s32 $0x8;
	[sflag:s30] =	ssyncadd.s32 $0xFFFFF000  }
0x17f: {  	_ =	swait.ge [sflag:s1], $0x1000  }
0x180: {  	s2 =	sld [smem:$0x7D5];
	_ =	sdelay $0x2  }
0x181: {  	s31 =	rddreg [dreg:$0xb];
	s2 =	sadd.s32 $0x1, s2  }
0x182: {  	p0 =	sne.s32 s2, s31  }
.Ltmp2:
0x183: {  	_ = 	snop;
	(pc) =	sbr.rel @p0 .LBB2_1-.Ltmp2, $3  }
0x184: {  	_ =	sdelay $0x1  }
0x185: {  	[sflag:s1] =	ssyncset.done $0x0  }
0x186: {  	[sflag:s1] =	ssyncadd.s32 $0xFFFFF000  }
0x187: {  	_ =	sfence.sel $0x180000  }
0x188: {  	[bflag:$0x0] =	sbarrier.arrive $0xFFFF  }
0x189: {  	_ =	strace $0x90000047  }
0x18a: {  	s0 =	stileid.u32;
	[bflag:$0x2] =	sbarrier.arrive $0xFFFF  }
0x18b: {  	p0 =	sne.s32 s0, $0x0;
	s0 =	rddreg [dreg:$0x2]  }
0x18c: {  	s0 =	sadd.s32 @!p0 $0x100000, s0  }
0x18d: {  	[sflag:s0] =	ssyncadd.tile.s32 @!p0 $0x1;
	_ =	shalt  }
.Lfunc_end2:
_tile_overlayer_lowered:
.L_overlay_start_2:
0x18e: {  	(tag) =	ssettag $0x2  }
0x18f: {  	s0 =	rddreg [dreg:$0x0];
	s2 =	stileid.u32  }
0x190: {  	s1 =	rddreg [dreg:$0x1];
	p0 =	sne.s32 s2, $0x0  }
0x191: {  	s3 =	rddreg [dreg:$0x2];
	[bflag:$0x3] =	sbarrier.arrive $0xFFFF;
	s2 =	simm.s32 @!p0 $0x1C09  }
0x192: {  	[timem:s3], [sflag:s2] =	dma.local @!p0 [hbm:s0], s1  }
0x193: {  	s0 =	simm.s32 @!p0 $0x9  }
0x194: {  	_ =	swait.ge @!p0 [sflag:s0], s1  }
0x195: {  	s1 =	ssub.s32 @!p0 $0x0, s1;
	[sflag:s0] =	ssyncset.done @!p0 $0x0  }
0x196: {  	[sflag:s0] =	ssyncadd.s32 @!p0 s1  }
0x197: {  	[bflag:$0x3] =	sbarrier.arrive $0xFFFF  }
0x198: {  	_ =	shalt  }

// kernel: sparse-core-data-format-call.cloned.1.call-start
scs
called_computation_lowered:
.L_overlay_start_0:
0x0: {  	s2 =	sld [smem:$0x3FD9]  }
0x1: {  	s3 =	sld [smem:$0x3FFE];
	_ =	sdelay $0x1  }
0x2: {  	s1 =	srdreg.scid  }
0x3: {  	s0 =	sand.u32 $0x1, s1  }
0x4: {  	s18 =	sshll.u32 s0, $0xA;
	s2 =	sadd.s32 s3, s2  }
0x5: {  	s2 =	sadd.s32 s2, s18  }
0x6: {  	[smem:$0x3FC6] =	sst s2  }
0x7: {  	_ = 	snop  }
0x8: {  	s2 =	sld [smem:$0x3FD0];
	(tm) =	ssettm $0x1  }
0x9: {  	s19 =	sld [smem:$0x3FFB];
	_ =	sdelay $0x3  }
0xa: {  	_ =	strace s19  }
0xb: {  	s3 =	sld [smem:$0x3FFC];
	_ =	sdelay $0x3  }
0xc: {  	_ =	strace s3  }
0xd: {  	s3 =	sld [smem:$0x3FFD];
	_ =	sdelay $0x3  }
0xe: {  	_ =	strace s3  }
0xf: {  	_ =	strace $0x8FFFFFFF  }
0x10: {  	s20 =	sld [smem:$0x3FDB];
	_ =	sdelay $0x1  }
0x11: {  	s4 =	simm.s32 $_scs_section_size  }
0x12: {  	s5 =	simm.s32 $_size__tile_overlayer_lowered;
	s6 =	simm.s32 $_tile_overlayer_lowered  }
0x13: {  	s23 =	simm.s32 $0x1BFF;
	s22 =	sshll.u32 s6, $0x1;
	s3 =	sadd.s32 s4, s20  }
0x14: {  	s7 =	simm.s32 $0x0;
	s21 =	sshll.u32 s5, $0x1;
	s5 =	sadd.s32 s22, s3  }
0x15: {  	[timem:s7], [sflag:s23] =	dma.local [hbm:s5], s21  }
0x16: {  	_ =	swait.ge [sflag:s23], s21  }
0x17: {  	s4 =	ssub.s32 $0x0, s21;
	[sflag:s23] =	ssyncset.done $0x0  }
0x18: {  	[sflag:s23] =	ssyncadd.s32 s4;
	_ =	sdelay $0x1  }
0x19: {  	s24 =	simm.s32 $0x1B8B  }
0x1a: {  	_ =	swait.ge [sflag:s24], $0x1  }
0x1b: {  	[sflag:s24] =	ssyncset.done $0x0  }
0x1c: {  	s26 =	simm.s32 $0x1B8E;
	s25 =	sld [smem:$0x3FFE];
	[sflag:s24] =	ssyncadd.s32 $0xFFFFFFFF  }
0x1d: {  	s27 =	simm.s32 $execute0_lowered;
	[smem:$0x3FD2] =	sst s26  }
0x1e: {  	s5 =	sshll.u32 s27, $0x1;
	_ =	strace $0x80000049;
	[dreg:$0x1] =	wrdreg $0xFFFFFFFF  }
0x1f: {  	s28 =	simm.s32 $_size_execute0_lowered;
	s3 =	sadd.s32 s3, s5;
	[dreg:$0x0] =	wrdreg $0x0  }
0x20: {  	s5 =	sshll.u32 s28, $0x1;
	[dreg:$0x2] =	wrdreg s3  }
0x21: {  	[dreg:$0x3] =	wrdreg s5  }
0x22: {  	[dreg:$0x4] =	wrdreg $0xC0  }
0x23: {  	_ =	task [dreg:s7], $0x5FFFF  }
0x24: {  	[dreg:$0x1] =	wrdreg $0xFFFFFFFF  }
0x25: {  	[dreg:$0x0] =	wrdreg $0x60  }
0x26: {  	[dreg:$0x2] =	wrdreg s25  }
0x27: {  	[dreg:$0x3] =	wrdreg s2  }
0x28: {  	[dreg:$0x4] =	wrdreg $0x9  }
0x29: {  	_ =	task.clear_ibuf [dreg:s7], $0x5FFFF;
	_ =	strace $0x90000049  }
0x2a: {  	s29 =	simm.s32 $0x9;
	_ =	strace $0x8000004B  }
0x2b: {  	_ =	swait.ge [sflag:s29], $0x1  }
0x2c: {  	[sflag:s29] =	ssyncadd.s32 $0xFFFFFFFF  }
0x2d: {  	_ =	strace $0x9000004B  }
0x2e: {  	_ =	sfence  }
0x2f: {  	s30 =	sld [smem:$0x0];
	_ =	sdelay $0x2  }
0x30: {  	s31 =	sshll.u32 s1, $0xD;
	s1 =	sshrl.u32 s1, $0x2  }
0x31: {  	s3 =	sand.u32 $0x4000, s31;
	s1 =	sadd.s32 s1, s30  }
0x32: {  	s0 =	sor.u32 s3, s0;
	s1 =	sshll.u32 s1, $0x11  }
0x33: {  	s0 =	sor.u32 s1, s0  }
0x34: {  	s0 =	sadd.s32 $0x8F2B, s0  }
0x35: {  	[sflag:s0] =	ssyncadd.remote.s32 $0x1  }
0x36: {  	_ =	sfence.sel $0xFFFF  }
0x37: {  	[dreg:$0x0] =	wrdreg $0xFFFFFFFF;
	(pc) =	sbr.abs _section_cstart, $3  }
0x38: {  	[dreg:$0x1] =	wrdreg $0xFFFFFFFF  }
0x39: {  	_ =	task.clear_ibuf [dreg:s7], $0x2FFFF;
	_ =	strace $0x9FFFFFFF  }
0x3a: {  	(tm) =	ssettm $0x7FFFFFFF  }
0x3b: {  	_ =	shalt  }
tec
execute0_lowered:
.L_overlay_start_1:
0x0: {  	(tag) =	ssettag $0x1  }
0x1: {  	s0 =	srdreg.scid  }
0x2: {  	s1 =	sshll.u32 s0, $0x4  }
0x3: {  	s6 =	rddreg [dreg:$0x0];
	s0 =	stileid.u32;
	s1 =	sand.u32 $0x10, s1  }
0x4: {  	s3 =	rddreg [dreg:$0x1];
	s5 =	simm.s32 $0x1;
	s1 =	sor.u32 s0, s1  }
0x5: {  	s31 =	simm.s32 $0x2;
	s12 =	simm.s32 $0x0;
	s2 =	sshll.u32 s1, $0x7  }
0x6: {  	s8 =	simm.s32 $0x8000;
	s13 =	simm.s32 $0x0;
	s4 =	ssub.s32 $0x1000, s2  }
0x7: {  	s9 =	simm.s32 $0x0;
	s11 =	simm.s32 $0x0;
	s30 =	sand.u32 $0xF80, s4  }
.Ltmp0:
0x8: {  	s6 =	sadd.s32 $0x220A00, s6;
	p0 =	sne.s32 s30, $0x0;
	(pc) =	sbr.rel .LBB1_1-.Ltmp0, $4  }
0x9: {  	s1 =	rddreg [dreg:$0x2];
	s7 =	sshrl.u32 s4, $0xC;
	s5 =	simm.s32 @!p0 $0x0  }
0xa: {  	_ =	strace $0x8000004A;
	s4 =	simm.s32 $0x1;
	s5 =	sadd.s32 s5, s7  }
0xb: {  	s10 =	smov.u32 s2;
	[sflag:s4] =	ssyncpa.u1 $0x0;
	s5 =	sshll.u32 s5, $0x6  }
0xc: {  	[sflag:s31] =	ssyncpa.u1 $0x0;
	p0 =	por $0x0, $0x0;
	s7 =	sor.u32 $0x1, s5  }
.LBB1_4:
0xd: {  	s16 =	sshll.u32 s13, $0x3;
	s17 =	sand.u32 $0x78, s13  }
0xe: {  	s30 =	sand.u32 $0x7E00, s13;
	s12 =	sshll.u32 s12, $0xF;
	s16 =	sand.u32 $0xC00, s16  }
0xf: {  	[tilespmem:s15+$0x810 ss:$0x81] =	vst.msk $0xffff, v2;
	s31 =	sand.u32 $0x7, s13;
	s16 =	sor.u32 s17, s16;
	s17 =	sadd.s32 s3, s30  }
0x10: {  	[tilespmem:s15+$0x1020 ss:$0x81] =	vst.msk $0xffff, v0;
	s13 =	sshll.u32 s31, $0x12;
	s12 =	sadd.s32 s12, s17;
	s16 =	sshrl.u32 s16, $0x3  }
0x11: {  	[tilespmem:s15+$0x0 ss:$0x81] =	vst.msk $0xffff, v1;
	s13 =	sor.u32 $0x400, s13;
	s12 =	sadd.s32 s16, s12  }
0x12: {  	[hbm4b:s12+s13] =	stream.strided.scatter [tilespmem:s14], [sflag:$0x2], $0x2000, s8, s13, $0x20;
	[tilespmem:$0x8080] =	vst v63  }
.LBB1_5:
0x13: {  	s14 =	sadd.s32 $0x1, s9  }
0x14: {  	s12 =	sadd.s32 $0x1000, s10;
	s16 =	smov.u32 s10;
	p2 =	sgt.s32 s14, $0x3F  }
0x15: {  	s16 =	smov.u32 @p2 s12  }
0x16: {  	s14 =	simm.s32 @p2 $0x0;
	p2 =	sgt.s32 s16, $0xFFF  }
0x17: {  	s16 =	smov.u32 @p2 s2;
	p2 =	sne.s32 s11, s7  }
.Ltmp1:
0x18: {  	p1 =	slt.u32 s11, $0x2;
	(pc) =	sbr.rel @!p2 .LBB1_6-.Ltmp1, $4  }
0x19: {  	s15 =	simm.s32 @!p1 $0x2  }
0x1a: {  	s13 =	smov.u32 s10;
	p0 =	por !p0, !p0;
	_ =	swait.ge @!p1 [sflag:s15], $0x2000  }
0x1b: {  	s12 =	smov.u32 s9;
	[sflag:s15] =	ssyncset.done @!p1 $0x0;
	s9 =	smov.u32 s14  }
0x1c: {  	s11 =	sadd.s32 $0x1, s11;
	[sflag:s15] =	ssyncadd.s32 @!p1 $0xFFFFE000;
	s10 =	smov.u32 s16  }
.LBB1_1:
0x1d: {  	p1 =	sge.u32 s11, s5  }
0x1e: {  	s31 =	sadd.s32 $0xFFFFFFFF, s11;
	s14 =	sxor.u32 @!p1 $0xFFFFFFFF, s11  }
0x1f: {  	s15 =	sshll.u32 @!p1 s10, $0xA;
	s16 =	sshll.u32 @!p1 s9, $0x4;
	s17 =	simm.s32 @!p1 $0x2000  }
0x20: {  	s14 =	sshll.u32 @!p1 s14, $0xD;
	s16 =	sand.u32 @!p1 $0x3F0, s16;
	s15 =	sadd.s32 @!p1 s6, s15  }
0x21: {  	s14 =	sand.u32 @!p1 $0x2000, s14;
	s15 =	sadd.s32 @!p1 s16, s15;
	s16 =	simm.s32 @!p1 $0x40  }
0x22: {  	[tilespmem:s14], [sflag:$0x1] =	stream.strided.gather @!p1 [hbm4b:s15+s16], $0x2000, s17, s16, $0x38;
	[tilespmem:$0x8080] =	vst v63  }
0x23: {  	p1 =	sge.u32 s31, s5  }
.Ltmp2:
0x24: {  	_ = 	snop;
	(pc) =	sbr.rel @p1 .LBB1_5-.Ltmp2, $1  }
0x25: {  	_ =	sdelay $0x3  }
0x26: {  	s14 =	simm.s32 $0x1  }
0x27: {  	_ =	swait.ge [sflag:s4], $0x2000;
	s14 =	simm.s32 @!p0 $0x0  }
0x28: {  	[sflag:s4] =	ssyncset.done $0x0;
	s15 =	sshll.u32 s14, $0xD  }
0x29: {  	[sflag:s4] =	ssyncadd.s32 $0xFFFFE000;
	s18 =	sor.u32 $0x20, s15  }
0x2a: {  	s14 =	smul.u32 $0x8100, s14;
	v3 =	vld [tilespmem:s18+$0x10]  }
0x2b: {  	s30 =	sand.u32 $0x1, s11;
	v2 =	vld [tilespmem:s18+$0xFFFFFFF0]  }
0x2c: {  	s15 =	smul.u32 $0x8100, s30;
	s14 =	sshrl.u32 s14, $0x2;
	v0 =	vld [tilespmem:s18+$0x0]  }
0x2d: {  	v1 =	vld [tilespmem:s18+$0xFFFFFFE0];
	s16 =	sor.u32 $0x4000, s14  }
0x2e: {  	s31 =	sshrl.u32 s15, $0x2;
	s15 =	sadd.s32 $0x0, s16  }
0x2f: {  	s17 =	simm.s32 $0x4;
	s18 =	sadd.s32 $0x40, s18;
	s14 =	sor.u32 $0x4000, s31;
	[tilespmem:s15+$0x1830 ss:$0x81] =	vst.msk $0xffff, v3  }
.LBB1_3:
0x30: {  	v3 =	vld [tilespmem:s18+$0x10];
	p1 =	sne.s32 s17, $0x1FC;
	[tilespmem:s15+$0x810 ss:$0x81] =	vst.msk $0xffff, v2;
	s19 =	smov.u32 s17;
	s17 =	sadd.s32 $0x4, s17  }
.Ltmp3:
0x31: {  	v2 =	vld [tilespmem:s18+$0xFFFFFFF0];
	[tilespmem:s15+$0x1020 ss:$0x81] =	vst.msk $0xffff, v0;
	(pc) =	sbr.rel @p1 .LBB1_3-.Ltmp3, $4  }
0x32: {  	v0 =	vld [tilespmem:s18+$0x0];
	[tilespmem:s15+$0x0 ss:$0x81] =	vst.msk $0xffff, v1  }
0x33: {  	s15 =	sshra.s32 s19, $0x2;
	v1 =	vld [tilespmem:s18+$0xFFFFFFE0]  }
0x34: {  	s15 =	sadd.s32 s15, s16  }
0x35: {  	s18 =	sadd.s32 $0x40, s18;
	[tilespmem:s15+$0x1830 ss:$0x81] =	vst.msk $0xffff, v3  }
.Ltmp4:
0x36: {  	_ = 	snop;
	(pc) =	sbr.rel .LBB1_4-.Ltmp4, $1  }
0x37: {  	_ =	sdelay $0x3  }
.LBB1_6:
0x38: {  	_ =	sfence.sel $0x180000  }
0x39: {  	s2 =	simm.s32 $0x1;
	[bflag:$0x0] =	sbarrier.arrive $0xFFFF  }
0x3a: {  	s31 =	simm.s32 $0x2;
	[sflag:s2] =	ssyncpa.u1 $0x1  }
0x3b: {  	[sflag:s31] =	ssyncpa.u1 $0x1  }
0x3c: {  	p0 =	sne.s32 s0, $0x0;
	_ =	strace $0x9000004A  }
0x3d: {  	s0 =	sadd.s32 @!p0 $0x100000, s1;
	[bflag:$0x2] =	sbarrier.arrive $0xFFFF  }
0x3e: {  	[sflag:s0] =	ssyncadd.tile.s32 @!p0 $0x1;
	_ =	shalt  }
.Lfunc_end1:
_tile_overlayer_lowered:
.L_overlay_start_2:
0x3f: {  	(tag) =	ssettag $0x2  }
0x40: {  	s0 =	rddreg [dreg:$0x0];
	s2 =	stileid.u32  }
0x41: {  	s1 =	rddreg [dreg:$0x1];
	p0 =	sne.s32 s2, $0x0  }
0x42: {  	s3 =	rddreg [dreg:$0x2];
	[bflag:$0x3] =	sbarrier.arrive $0xFFFF;
	s2 =	simm.s32 @!p0 $0x1C01  }
0x43: {  	[timem:s3], [sflag:s2] =	dma.local @!p0 [hbm:s0], s1  }
0x44: {  	s0 =	simm.s32 @!p0 $0x1  }
0x45: {  	_ =	swait.ge @!p0 [sflag:s0], s1  }
0x46: {  	s1 =	ssub.s32 @!p0 $0x0, s1;
	[sflag:s0] =	ssyncset.done @!p0 $0x0  }
0x47: {  	[sflag:s0] =	ssyncadd.s32 @!p0 s1  }
0x48: {  	[bflag:$0x3] =	sbarrier.arrive $0xFFFF  }
0x49: {  	_ =	shalt  }

</sc_bundles>
